<compile_context>
chip_gen: v7x
topology: tpu7x:2x2x1
jax: 0.10.2.dev20260603
libtpu: 0.0.44.dev20260713+nightly
codegen_flags: <defaults>
</compile_context>

<pallas_src>
import functools

import jax
import jax.numpy as jnp
from jax import lax
from jax.experimental import pallas as pl
from jax.experimental.pallas import tpu as pltpu
from jax.experimental.pallas import tpu_sc as plsc

_MAX_POSITIONS = 8192
_HIDDEN = 1024
_BATCH = 4

_NC = 2
_NS = 16
_NW = _NC * _NS
_POS_PER_W = _MAX_POSITIONS // _NW
_CHUNK = 32
_NCHUNK = _POS_PER_W // _CHUNK
_NBUF = 3


def _sc_body(pos_hbm, table_hbm, out_hbm, idx_v, rows, gsems, ssems):
    wid = lax.axis_index("s") * _NC + lax.axis_index("c")
    base = wid * _POS_PER_W

    pltpu.sync_copy(pos_hbm.at[pl.ds(base * 1, _POS_PER_W)], idx_v)
    for i in range(_POS_PER_W // 16):
        sl = pl.ds(i * 16, 16)
        idx_v[sl] = jnp.minimum(idx_v[sl], _MAX_POSITIONS - 1)

    def start_gather(k):
        buf = k % _NBUF
        idx_slice = idx_v.at[pl.ds(k * _CHUNK, _CHUNK)]
        return pltpu.async_copy(table_hbm.at[idx_slice], rows[buf], gsems[buf])

    def start_stores(k):
        buf = k % _NBUF
        waits = []
        for j in range(_BATCH):
            dst = out_hbm.at[pl.ds(base + k * _CHUNK, _CHUNK), pl.ds(j, 1)]
            waits.append(pltpu.async_copy(rows[buf], dst, ssems[buf]))
        return waits

    pending_g = {0: start_gather(0)}
    pending_s = {}
    for k in range(_NCHUNK):
        victim = k - 1
        if victim in pending_s:
            for w in pending_s.pop(victim):
                w.wait()
        nxt = k + _NBUF - 1
        if nxt < _NCHUNK and nxt not in pending_g:
            pending_g[nxt] = start_gather(nxt)
        pending_g.pop(k).wait()
        pending_s[k] = start_stores(k)
        if k + 1 < _NCHUNK and k + 1 not in pending_g:
            pending_g[k + 1] = start_gather(k + 1)
    for ws in pending_s.values():
        for w in ws:
            w.wait()


@functools.partial(jax.jit, static_argnums=())
def _sc_lookup(pos, table3):
    mesh = plsc.VectorSubcoreMesh(core_axis_name="c", subcore_axis_name="s")
    return pl.kernel(
        _sc_body,
        out_type=jax.ShapeDtypeStruct((_MAX_POSITIONS, _BATCH, _HIDDEN),
                                      jnp.float32),
        mesh=mesh,
        scratch_types=[
            pltpu.VMEM((_POS_PER_W,), jnp.int32),
            tuple(pltpu.VMEM((_CHUNK, 1, _HIDDEN), jnp.float32)
                  for _ in range(_NBUF)),
            tuple(pltpu.SemaphoreType.DMA for _ in range(_NBUF)),
            tuple(pltpu.SemaphoreType.DMA for _ in range(_NBUF)),
        ],
    )(pos, table3)


def kernel(input_pos, batch_len, start, seq_len, table):
    pos = input_pos.astype(jnp.int32)
    table3 = table.reshape(_MAX_POSITIONS, 1, _HIDDEN)
    return _sc_lookup(pos, table3)

# --- scband reference (transcript-rebuilt; emitter-appended) ---
"""Pipeline reference for scband-positional-encoding-83966610637111 (READ-ONLY COPY).

The authoritative reference and input builder live on the scoring server;
editing this copy changes nothing except your own understanding.
"""

import jax, jax.numpy as jnp
import numpy as np

MAX_POSITIONS = 8192
HIDDEN = 1024


def setup_inputs(seed: int = 0) -> dict:
    key = jax.random.key(seed)
    k_tab, = jax.random.split(key, 1)
    table = jax.random.normal(k_tab, (MAX_POSITIONS, HIDDEN), dtype=jnp.float32) * 0.02
    input_pos = jnp.arange(8192, dtype=jnp.int64) if jax.config.jax_enable_x64 else jnp.arange(8192, dtype=jnp.int32)
    return {
        "input_pos": input_pos,
        "batch_len": 4,
        "start": 0,
        "seq_len": 8192,
        "table": table,
    }


def reference(input_pos, batch_len, start, seq_len, table):
    # If input_pos is None, build [start, start+seq_len); here input_pos is provided.
    if input_pos is None:
        pos = jnp.arange(start, start + seq_len)
    else:
        pos = input_pos
    # clamp_max to table size
    pos = jnp.minimum(pos, MAX_POSITIONS - 1)
    # embedding lookup (gather rows)
    pe = jnp.take(table, pos, axis=0)  # [L, H]
    # unsqueeze(1).expand -> broadcast to [L, batch_len, H]
    static_batch_len = 4
    pe = jnp.broadcast_to(pe[:, None, :], (pe.shape[0], static_batch_len, pe.shape[1]))
    pe = pe * (jnp.asarray(batch_len) // static_batch_len).astype(pe.dtype)
    return pe

if __name__ == "__main__":
    import jax
    _d = setup_inputs()
    print(jax.jit(kernel)(*tuple(_d.values())))

</pallas_src>

<mosaic_0001>
#map = affine_map<(d0, d1) -> (0)>
#map1 = affine_map<(d0, d1) -> (0, 0, 0)>
module attributes {stable_mosaic.version = 14 : i64} {
  func.func @_sc_body(%arg0: i32, %arg1: i32, %arg2: memref<8192xi32, #tpu.memory_space<hbm>>, %arg3: memref<8192x1x1024xf32, #tpu.memory_space<hbm>>, %arg4: memref<8192x4x1024xf32, #tpu.memory_space<hbm>>, %arg5: memref<256xi32, #tpu.memory_space<vmem>>, %arg6: memref<32x1x1024xf32, #tpu.memory_space<vmem>>, %arg7: memref<32x1x1024xf32, #tpu.memory_space<vmem>>, %arg8: memref<32x1x1024xf32, #tpu.memory_space<vmem>>, %arg9: memref<!tpu.dma_semaphore, #tpu.memory_space<semaphore_mem>>, %arg10: memref<!tpu.dma_semaphore, #tpu.memory_space<semaphore_mem>>, %arg11: memref<!tpu.dma_semaphore, #tpu.memory_space<semaphore_mem>>, %arg12: memref<!tpu.dma_semaphore, #tpu.memory_space<semaphore_mem>>, %arg13: memref<!tpu.dma_semaphore, #tpu.memory_space<semaphore_mem>>, %arg14: memref<!tpu.dma_semaphore, #tpu.memory_space<semaphore_mem>>) attributes {dimension_semantics = [#tpu.dimension_semantics<core_parallel>, #tpu.dimension_semantics<subcore_parallel>], iteration_bounds = array<i64: 2, 16>, scalar_prefetch = 0 : i64, scratch_operands = 10 : i64, tpu.core_type = #tpu.core_type<sc_vector_subcore>, window_params = [{transform_indices = #map}, {transform_indices = #map1}, {transform_indices = #map1}]} {
    %mul3A = arith.constant 2 : i32
    %mul3A_0 = arith.muli %arg1, %mul3A : i32
    %add3A = arith.addi %mul3A_0, %arg0 : i32
    %mul3A_1 = arith.constant 256 : i32
    %mul3A_2 = arith.muli %add3A, %mul3A_1 : i32
    %mul3A_3 = arith.constant 1 : i32
    %mul3A_4 = arith.muli %mul3A_2, %mul3A_3 : i32
    "tpu.region"() ({
      %run_scoped3A = tpu.sem_alloc : memref<!tpu.dma_semaphore, #tpu.memory_space<semaphore_mem>>
      %dma_start3A_704 = tpu.memref_slice %arg2[%mul3A_4] : memref<8192xi32, #tpu.memory_space<hbm>> -> memref<256xi32, #tpu.memory_space<hbm>>
      %dma_start3A_705 = tpu.memref_slice %arg2[%mul3A_4] : memref<8192xi32, #tpu.memory_space<hbm>> -> memref<256xi32, #tpu.memory_space<hbm>>
      tpu.enqueue_dma source(%dma_start3A_705 : memref<256xi32, #tpu.memory_space<hbm>>) target(%arg5 : memref<256xi32, #tpu.memory_space<vmem>>) target_semaphore(%run_scoped3A : memref<!tpu.dma_semaphore, #tpu.memory_space<semaphore_mem>>)
      %dma_wait3A_706 = tpu.memref_slice %arg2[%mul3A_4] : memref<8192xi32, #tpu.memory_space<hbm>> -> memref<256xi32, #tpu.memory_space<hbm>>
      %dma_wait3A_707 = tpu.memref_slice %arg2[%mul3A_4] : memref<8192xi32, #tpu.memory_space<hbm>> -> memref<256xi32, #tpu.memory_space<hbm>>
      tpu.wait_dma2 semaphore(%run_scoped3A : memref<!tpu.dma_semaphore, #tpu.memory_space<semaphore_mem>>) src(%dma_wait3A_707 : memref<256xi32, #tpu.memory_space<hbm>>) dst(%arg5 : memref<256xi32, #tpu.memory_space<vmem>>)
      tpu.yield
    }) : () -> ()
    %get3A = arith.constant 0 : index
    %get3A_5 = tpu.vector_load %arg5[%get3A] {strides = array<i32>} : memref<256xi32, #tpu.memory_space<vmem>>, vector<16xi32>,
    %get3A_6 = vector.shape_cast %get3A_5 : vector<16xi32> to vector<16xi32>
    %min3A = arith.constant 8191 : i32
    %min3A_7 = vector.broadcast %min3A : i32 to vector<16xi32>
    %min3A_8 = arith.minsi %get3A_6, %min3A_7 : vector<16xi32>
    %swap3A = arith.constant 0 : index
    %swap3A_9 = tpu.vector_load %arg5[%swap3A] {strides = array<i32>} : memref<256xi32, #tpu.memory_space<vmem>>, vector<16xi32>,
    %swap3A_10 = vector.shape_cast %swap3A_9 : vector<16xi32> to vector<16xi32>
    %swap3A_11 = vector.shape_cast %min3A_8 : vector<16xi32> to vector<16xi32>
    tpu.vector_store %arg5[%swap3A], %swap3A_11 {strides = array<i32>} : memref<256xi32, #tpu.memory_space<vmem>>, vector<16xi32>,
    %get3A_12 = arith.constant 16 : index
    %get3A_13 = tpu.vector_load %arg5[%get3A_12] {strides = array<i32>} : memref<256xi32, #tpu.memory_space<vmem>>, vector<16xi32>,
    %get3A_14 = vector.shape_cast %get3A_13 : vector<16xi32> to vector<16xi32>
    %min3A_15 = arith.constant 8191 : i32
    %min3A_16 = vector.broadcast %min3A_15 : i32 to vector<16xi32>
    %min3A_17 = arith.minsi %get3A_14, %min3A_16 : vector<16xi32>
    %swap3A_18 = arith.constant 16 : index
    %swap3A_19 = tpu.vector_load %arg5[%swap3A_18] {strides = array<i32>} : memref<256xi32, #tpu.memory_space<vmem>>, vector<16xi32>,
    %swap3A_20 = vector.shape_cast %swap3A_19 : vector<16xi32> to vector<16xi32>
    %swap3A_21 = vector.shape_cast %min3A_17 : vector<16xi32> to vector<16xi32>
    tpu.vector_store %arg5[%swap3A_18], %swap3A_21 {strides = array<i32>} : memref<256xi32, #tpu.memory_space<vmem>>, vector<16xi32>,
    %get3A_22 = arith.constant 32 : index
    %get3A_23 = tpu.vector_load %arg5[%get3A_22] {strides = array<i32>} : memref<256xi32, #tpu.memory_space<vmem>>, vector<16xi32>,
    %get3A_24 = vector.shape_cast %get3A_23 : vector<16xi32> to vector<16xi32>
    %min3A_25 = arith.constant 8191 : i32
    %min3A_26 = vector.broadcast %min3A_25 : i32 to vector<16xi32>
    %min3A_27 = arith.minsi %get3A_24, %min3A_26 : vector<16xi32>
    %swap3A_28 = arith.constant 32 : index
    %swap3A_29 = tpu.vector_load %arg5[%swap3A_28] {strides = array<i32>} : memref<256xi32, #tpu.memory_space<vmem>>, vector<16xi32>,
    %swap3A_30 = vector.shape_cast %swap3A_29 : vector<16xi32> to vector<16xi32>
    %swap3A_31 = vector.shape_cast %min3A_27 : vector<16xi32> to vector<16xi32>
    tpu.vector_store %arg5[%swap3A_28], %swap3A_31 {strides = array<i32>} : memref<256xi32, #tpu.memory_space<vmem>>, vector<16xi32>,
    %get3A_32 = arith.constant 48 : index
    %get3A_33 = tpu.vector_load %arg5[%get3A_32] {strides = array<i32>} : memref<256xi32, #tpu.memory_space<vmem>>, vector<16xi32>,
    %get3A_34 = vector.shape_cast %get3A_33 : vector<16xi32> to vector<16xi32>
    %min3A_35 = arith.constant 8191 : i32
    %min3A_36 = vector.broadcast %min3A_35 : i32 to vector<16xi32>
    %min3A_37 = arith.minsi %get3A_34, %min3A_36 : vector<16xi32>
    %swap3A_38 = arith.constant 48 : index
    %swap3A_39 = tpu.vector_load %arg5[%swap3A_38] {strides = array<i32>} : memref<256xi32, #tpu.memory_space<vmem>>, vector<16xi32>,
    %swap3A_40 = vector.shape_cast %swap3A_39 : vector<16xi32> to vector<16xi32>
    %swap3A_41 = vector.shape_cast %min3A_37 : vector<16xi32> to vector<16xi32>
    tpu.vector_store %arg5[%swap3A_38], %swap3A_41 {strides = array<i32>} : memref<256xi32, #tpu.memory_space<vmem>>, vector<16xi32>,
    %get3A_42 = arith.constant 64 : index
    %get3A_43 = tpu.vector_load %arg5[%get3A_42] {strides = array<i32>} : memref<256xi32, #tpu.memory_space<vmem>>, vector<16xi32>,
    %get3A_44 = vector.shape_cast %get3A_43 : vector<16xi32> to vector<16xi32>
    %min3A_45 = arith.constant 8191 : i32
    %min3A_46 = vector.broadcast %min3A_45 : i32 to vector<16xi32>
    %min3A_47 = arith.minsi %get3A_44, %min3A_46 : vector<16xi32>
    %swap3A_48 = arith.constant 64 : index
    %swap3A_49 = tpu.vector_load %arg5[%swap3A_48] {strides = array<i32>} : memref<256xi32, #tpu.memory_space<vmem>>, vector<16xi32>,
    %swap3A_50 = vector.shape_cast %swap3A_49 : vector<16xi32> to vector<16xi32>
    %swap3A_51 = vector.shape_cast %min3A_47 : vector<16xi32> to vector<16xi32>
    tpu.vector_store %arg5[%swap3A_48], %swap3A_51 {strides = array<i32>} : memref<256xi32, #tpu.memory_space<vmem>>, vector<16xi32>,
    %get3A_52 = arith.constant 80 : index
    %get3A_53 = tpu.vector_load %arg5[%get3A_52] {strides = array<i32>} : memref<256xi32, #tpu.memory_space<vmem>>, vector<16xi32>,
    %get3A_54 = vector.shape_cast %get3A_53 : vector<16xi32> to vector<16xi32>
    %min3A_55 = arith.constant 8191 : i32
    %min3A_56 = vector.broadcast %min3A_55 : i32 to vector<16xi32>
    %min3A_57 = arith.minsi %get3A_54, %min3A_56 : vector<16xi32>
    %swap3A_58 = arith.constant 80 : index
    %swap3A_59 = tpu.vector_load %arg5[%swap3A_58] {strides = array<i32>} : memref<256xi32, #tpu.memory_space<vmem>>, vector<16xi32>,
    %swap3A_60 = vector.shape_cast %swap3A_59 : vector<16xi32> to vector<16xi32>
    %swap3A_61 = vector.shape_cast %min3A_57 : vector<16xi32> to vector<16xi32>
    tpu.vector_store %arg5[%swap3A_58], %swap3A_61 {strides = array<i32>} : memref<256xi32, #tpu.memory_space<vmem>>, vector<16xi32>,
    %get3A_62 = arith.constant 96 : index
    %get3A_63 = tpu.vector_load %arg5[%get3A_62] {strides = array<i32>} : memref<256xi32, #tpu.memory_space<vmem>>, vector<16xi32>,
    %get3A_64 = vector.shape_cast %get3A_63 : vector<16xi32> to vector<16xi32>
    %min3A_65 = arith.constant 8191 : i32
    %min3A_66 = vector.broadcast %min3A_65 : i32 to vector<16xi32>
    %min3A_67 = arith.minsi %get3A_64, %min3A_66 : vector<16xi32>
    %swap3A_68 = arith.constant 96 : index
    %swap3A_69 = tpu.vector_load %arg5[%swap3A_68] {strides = array<i32>} : memref<256xi32, #tpu.memory_space<vmem>>, vector<16xi32>,
    %swap3A_70 = vector.shape_cast %swap3A_69 : vector<16xi32> to vector<16xi32>
    %swap3A_71 = vector.shape_cast %min3A_67 : vector<16xi32> to vector<16xi32>
    tpu.vector_store %arg5[%swap3A_68], %swap3A_71 {strides = array<i32>} : memref<256xi32, #tpu.memory_space<vmem>>, vector<16xi32>,
    %get3A_72 = arith.constant 112 : index
    %get3A_73 = tpu.vector_load %arg5[%get3A_72] {strides = array<i32>} : memref<256xi32, #tpu.memory_space<vmem>>, vector<16xi32>,
    %get3A_74 = vector.shape_cast %get3A_73 : vector<16xi32> to vector<16xi32>
    %min3A_75 = arith.constant 8191 : i32
    %min3A_76 = vector.broadcast %min3A_75 : i32 to vector<16xi32>
    %min3A_77 = arith.minsi %get3A_74, %min3A_76 : vector<16xi32>
    %swap3A_78 = arith.constant 112 : index
    %swap3A_79 = tpu.vector_load %arg5[%swap3A_78] {strides = array<i32>} : memref<256xi32, #tpu.memory_space<vmem>>, vector<16xi32>,
    %swap3A_80 = vector.shape_cast %swap3A_79 : vector<16xi32> to vector<16xi32>
    %swap3A_81 = vector.shape_cast %min3A_77 : vector<16xi32> to vector<16xi32>
    tpu.vector_store %arg5[%swap3A_78], %swap3A_81 {strides = array<i32>} : memref<256xi32, #tpu.memory_space<vmem>>, vector<16xi32>,
    %get3A_82 = arith.constant 128 : index
    %get3A_83 = tpu.vector_load %arg5[%get3A_82] {strides = array<i32>} : memref<256xi32, #tpu.memory_space<vmem>>, vector<16xi32>,
    %get3A_84 = vector.shape_cast %get3A_83 : vector<16xi32> to vector<16xi32>
    %min3A_85 = arith.constant 8191 : i32
    %min3A_86 = vector.broadcast %min3A_85 : i32 to vector<16xi32>
    %min3A_87 = arith.minsi %get3A_84, %min3A_86 : vector<16xi32>
    %swap3A_88 = arith.constant 128 : index
    %swap3A_89 = tpu.vector_load %arg5[%swap3A_88] {strides = array<i32>} : memref<256xi32, #tpu.memory_space<vmem>>, vector<16xi32>,
    %swap3A_90 = vector.shape_cast %swap3A_89 : vector<16xi32> to vector<16xi32>
    %swap3A_91 = vector.shape_cast %min3A_87 : vector<16xi32> to vector<16xi32>
    tpu.vector_store %arg5[%swap3A_88], %swap3A_91 {strides = array<i32>} : memref<256xi32, #tpu.memory_space<vmem>>, vector<16xi32>,
    %get3A_92 = arith.constant 144 : index
    %get3A_93 = tpu.vector_load %arg5[%get3A_92] {strides = array<i32>} : memref<256xi32, #tpu.memory_space<vmem>>, vector<16xi32>,
    %get3A_94 = vector.shape_cast %get3A_93 : vector<16xi32> to vector<16xi32>
    %min3A_95 = arith.constant 8191 : i32
    %min3A_96 = vector.broadcast %min3A_95 : i32 to vector<16xi32>
    %min3A_97 = arith.minsi %get3A_94, %min3A_96 : vector<16xi32>
    %swap3A_98 = arith.constant 144 : index
    %swap3A_99 = tpu.vector_load %arg5[%swap3A_98] {strides = array<i32>} : memref<256xi32, #tpu.memory_space<vmem>>, vector<16xi32>,
    %swap3A_100 = vector.shape_cast %swap3A_99 : vector<16xi32> to vector<16xi32>
    %swap3A_101 = vector.shape_cast %min3A_97 : vector<16xi32> to vector<16xi32>
    tpu.vector_store %arg5[%swap3A_98], %swap3A_101 {strides = array<i32>} : memref<256xi32, #tpu.memory_space<vmem>>, vector<16xi32>,
    %get3A_102 = arith.constant 160 : index
    %get3A_103 = tpu.vector_load %arg5[%get3A_102] {strides = array<i32>} : memref<256xi32, #tpu.memory_space<vmem>>, vector<16xi32>,
    %get3A_104 = vector.shape_cast %get3A_103 : vector<16xi32> to vector<16xi32>
    %min3A_105 = arith.constant 8191 : i32
    %min3A_106 = vector.broadcast %min3A_105 : i32 to vector<16xi32>
    %min3A_107 = arith.minsi %get3A_104, %min3A_106 : vector<16xi32>
    %swap3A_108 = arith.constant 160 : index
    %swap3A_109 = tpu.vector_load %arg5[%swap3A_108] {strides = array<i32>} : memref<256xi32, #tpu.memory_space<vmem>>, vector<16xi32>,
    %swap3A_110 = vector.shape_cast %swap3A_109 : vector<16xi32> to vector<16xi32>
    %swap3A_111 = vector.shape_cast %min3A_107 : vector<16xi32> to vector<16xi32>
    tpu.vector_store %arg5[%swap3A_108], %swap3A_111 {strides = array<i32>} : memref<256xi32, #tpu.memory_space<vmem>>, vector<16xi32>,
    %get3A_112 = arith.constant 176 : index
    %get3A_113 = tpu.vector_load %arg5[%get3A_112] {strides = array<i32>} : memref<256xi32, #tpu.memory_space<vmem>>, vector<16xi32>,
    %get3A_114 = vector.shape_cast %get3A_113 : vector<16xi32> to vector<16xi32>
    %min3A_115 = arith.constant 8191 : i32
    %min3A_116 = vector.broadcast %min3A_115 : i32 to vector<16xi32>
    %min3A_117 = arith.minsi %get3A_114, %min3A_116 : vector<16xi32>
    %swap3A_118 = arith.constant 176 : index
    %swap3A_119 = tpu.vector_load %arg5[%swap3A_118] {strides = array<i32>} : memref<256xi32, #tpu.memory_space<vmem>>, vector<16xi32>,
    %swap3A_120 = vector.shape_cast %swap3A_119 : vector<16xi32> to vector<16xi32>
    %swap3A_121 = vector.shape_cast %min3A_117 : vector<16xi32> to vector<16xi32>
    tpu.vector_store %arg5[%swap3A_118], %swap3A_121 {strides = array<i32>} : memref<256xi32, #tpu.memory_space<vmem>>, vector<16xi32>,
    %get3A_122 = arith.constant 192 : index
    %get3A_123 = tpu.vector_load %arg5[%get3A_122] {strides = array<i32>} : memref<256xi32, #tpu.memory_space<vmem>>, vector<16xi32>,
    %get3A_124 = vector.shape_cast %get3A_123 : vector<16xi32> to vector<16xi32>
    %min3A_125 = arith.constant 8191 : i32
    %min3A_126 = vector.broadcast %min3A_125 : i32 to vector<16xi32>
    %min3A_127 = arith.minsi %get3A_124, %min3A_126 : vector<16xi32>
    %swap3A_128 = arith.constant 192 : index
    %swap3A_129 = tpu.vector_load %arg5[%swap3A_128] {strides = array<i32>} : memref<256xi32, #tpu.memory_space<vmem>>, vector<16xi32>,
    %swap3A_130 = vector.shape_cast %swap3A_129 : vector<16xi32> to vector<16xi32>
    %swap3A_131 = vector.shape_cast %min3A_127 : vector<16xi32> to vector<16xi32>
    tpu.vector_store %arg5[%swap3A_128], %swap3A_131 {strides = array<i32>} : memref<256xi32, #tpu.memory_space<vmem>>, vector<16xi32>,
    %get3A_132 = arith.constant 208 : index
    %get3A_133 = tpu.vector_load %arg5[%get3A_132] {strides = array<i32>} : memref<256xi32, #tpu.memory_space<vmem>>, vector<16xi32>,
    %get3A_134 = vector.shape_cast %get3A_133 : vector<16xi32> to vector<16xi32>
    %min3A_135 = arith.constant 8191 : i32
    %min3A_136 = vector.broadcast %min3A_135 : i32 to vector<16xi32>
    %min3A_137 = arith.minsi %get3A_134, %min3A_136 : vector<16xi32>
    %swap3A_138 = arith.constant 208 : index
    %swap3A_139 = tpu.vector_load %arg5[%swap3A_138] {strides = array<i32>} : memref<256xi32, #tpu.memory_space<vmem>>, vector<16xi32>,
    %swap3A_140 = vector.shape_cast %swap3A_139 : vector<16xi32> to vector<16xi32>
    %swap3A_141 = vector.shape_cast %min3A_137 : vector<16xi32> to vector<16xi32>
    tpu.vector_store %arg5[%swap3A_138], %swap3A_141 {strides = array<i32>} : memref<256xi32, #tpu.memory_space<vmem>>, vector<16xi32>,
    %get3A_142 = arith.constant 224 : index
    %get3A_143 = tpu.vector_load %arg5[%get3A_142] {strides = array<i32>} : memref<256xi32, #tpu.memory_space<vmem>>, vector<16xi32>,
    %get3A_144 = vector.shape_cast %get3A_143 : vector<16xi32> to vector<16xi32>
    %min3A_145 = arith.constant 8191 : i32
    %min3A_146 = vector.broadcast %min3A_145 : i32 to vector<16xi32>
    %min3A_147 = arith.minsi %get3A_144, %min3A_146 : vector<16xi32>
    %swap3A_148 = arith.constant 224 : index
    %swap3A_149 = tpu.vector_load %arg5[%swap3A_148] {strides = array<i32>} : memref<256xi32, #tpu.memory_space<vmem>>, vector<16xi32>,
    %swap3A_150 = vector.shape_cast %swap3A_149 : vector<16xi32> to vector<16xi32>
    %swap3A_151 = vector.shape_cast %min3A_147 : vector<16xi32> to vector<16xi32>
    tpu.vector_store %arg5[%swap3A_148], %swap3A_151 {strides = array<i32>} : memref<256xi32, #tpu.memory_space<vmem>>, vector<16xi32>,
    %get3A_152 = arith.constant 240 : index
    %get3A_153 = tpu.vector_load %arg5[%get3A_152] {strides = array<i32>} : memref<256xi32, #tpu.memory_space<vmem>>, vector<16xi32>,
    %get3A_154 = vector.shape_cast %get3A_153 : vector<16xi32> to vector<16xi32>
    %min3A_155 = arith.constant 8191 : i32
    %min3A_156 = vector.broadcast %min3A_155 : i32 to vector<16xi32>
    %min3A_157 = arith.minsi %get3A_154, %min3A_156 : vector<16xi32>
    %swap3A_158 = arith.constant 240 : index
    %swap3A_159 = tpu.vector_load %arg5[%swap3A_158] {strides = array<i32>} : memref<256xi32, #tpu.memory_space<vmem>>, vector<16xi32>,
    %swap3A_160 = vector.shape_cast %swap3A_159 : vector<16xi32> to vector<16xi32>
    %swap3A_161 = vector.shape_cast %min3A_157 : vector<16xi32> to vector<16xi32>
    tpu.vector_store %arg5[%swap3A_158], %swap3A_161 {strides = array<i32>} : memref<256xi32, #tpu.memory_space<vmem>>, vector<16xi32>,
    %dma_start3A = arith.constant 0 : i32
    %dma_start3A_162 = tpu.memref_slice %arg5[%dma_start3A] : memref<256xi32, #tpu.memory_space<vmem>> -> memref<32xi32, #tpu.memory_space<vmem>>
    %dma_start3A_163 = arith.constant 0 : i32
    %dma_start3A_164 = arith.constant 0 : i32
    %dma_start3A_165 = arith.constant 0 : i32
    %dma_start3A_166 = tpu.memref_slice %arg3[%dma_start3A_163, %dma_start3A_164, %dma_start3A_165] : memref<8192x1x1024xf32, #tpu.memory_space<hbm>> -> memref<8192x1x1024xf32, #tpu.memory_space<hbm>>
    tpu.enqueue_indirect_dma source(%dma_start3A_166 : memref<8192x1x1024xf32, #tpu.memory_space<hbm>>) target(%arg6 : memref<32x1x1024xf32, #tpu.memory_space<vmem>>) offsets(%dma_start3A_162 : memref<32xi32, #tpu.memory_space<vmem>>) semaphore(%arg9 : memref<!tpu.dma_semaphore, #tpu.memory_space<semaphore_mem>>)
    %dma_start3A_167 = arith.constant 64 : i32
    %dma_start3A_168 = tpu.memref_slice %arg5[%dma_start3A_167] : memref<256xi32, #tpu.memory_space<vmem>> -> memref<32xi32, #tpu.memory_space<vmem>>
    %dma_start3A_169 = arith.constant 0 : i32
    %dma_start3A_170 = arith.constant 0 : i32
    %dma_start3A_171 = arith.constant 0 : i32
    %dma_start3A_172 = tpu.memref_slice %arg3[%dma_start3A_169, %dma_start3A_170, %dma_start3A_171] : memref<8192x1x1024xf32, #tpu.memory_space<hbm>> -> memref<8192x1x1024xf32, #tpu.memory_space<hbm>>
    tpu.enqueue_indirect_dma source(%dma_start3A_172 : memref<8192x1x1024xf32, #tpu.memory_space<hbm>>) target(%arg8 : memref<32x1x1024xf32, #tpu.memory_space<vmem>>) offsets(%dma_start3A_168 : memref<32xi32, #tpu.memory_space<vmem>>) semaphore(%arg11 : memref<!tpu.dma_semaphore, #tpu.memory_space<semaphore_mem>>)
    %dma_wait3A = arith.constant 0 : i32
    %dma_wait3A_173 = tpu.memref_slice %arg5[%dma_wait3A] : memref<256xi32, #tpu.memory_space<vmem>> -> memref<32xi32, #tpu.memory_space<vmem>>
    %dma_wait3A_174 = arith.constant 0 : i32
    %dma_wait3A_175 = arith.constant 0 : i32
    %dma_wait3A_176 = arith.constant 0 : i32
    %dma_wait3A_177 = tpu.memref_slice %arg3[%dma_wait3A_174, %dma_wait3A_175, %dma_wait3A_176] : memref<8192x1x1024xf32, #tpu.memory_space<hbm>> -> memref<8192x1x1024xf32, #tpu.memory_space<hbm>>
    tpu.wait_indirect_dma semaphore(%arg9 : memref<!tpu.dma_semaphore, #tpu.memory_space<semaphore_mem>>) src(%dma_wait3A_177 : memref<8192x1x1024xf32, #tpu.memory_space<hbm>>) dst(%arg6 : memref<32x1x1024xf32, #tpu.memory_space<vmem>>)
    %add3A_178 = arith.constant 0 : i32
    %add3A_179 = arith.addi %mul3A_2, %add3A_178 : i32
    %dma_start3A_180 = arith.constant 0 : i32
    %dma_start3A_181 = arith.constant 0 : i32
    %dma_start3A_182 = tpu.memref_slice %arg4[%add3A_179, %dma_start3A_180, %dma_start3A_181] : memref<8192x4x1024xf32, #tpu.memory_space<hbm>> -> memref<32x1x1024xf32, #tpu.memory_space<hbm>>
    %dma_start3A_183 = arith.constant 0 : i32
    %dma_start3A_184 = arith.constant 0 : i32
    %dma_start3A_185 = tpu.memref_slice %arg4[%add3A_179, %dma_start3A_183, %dma_start3A_184] : memref<8192x4x1024xf32, #tpu.memory_space<hbm>> -> memref<32x1x1024xf32, #tpu.memory_space<hbm>>
    tpu.enqueue_dma source(%arg6 : memref<32x1x1024xf32, #tpu.memory_space<vmem>>) target(%dma_start3A_185 : memref<32x1x1024xf32, #tpu.memory_space<hbm>>) target_semaphore(%arg12 : memref<!tpu.dma_semaphore, #tpu.memory_space<semaphore_mem>>)
    %add3A_186 = arith.constant 0 : i32
    %add3A_187 = arith.addi %mul3A_2, %add3A_186 : i32
    %dma_start3A_188 = arith.constant 1 : i32
    %dma_start3A_189 = arith.constant 0 : i32
    %dma_start3A_190 = tpu.memref_slice %arg4[%add3A_187, %dma_start3A_188, %dma_start3A_189] : memref<8192x4x1024xf32, #tpu.memory_space<hbm>> -> memref<32x1x1024xf32, #tpu.memory_space<hbm>>
    %dma_start3A_191 = arith.constant 1 : i32
    %dma_start3A_192 = arith.constant 0 : i32
    %dma_start3A_193 = tpu.memref_slice %arg4[%add3A_187, %dma_start3A_191, %dma_start3A_192] : memref<8192x4x1024xf32, #tpu.memory_space<hbm>> -> memref<32x1x1024xf32, #tpu.memory_space<hbm>>
    tpu.enqueue_dma source(%arg6 : memref<32x1x1024xf32, #tpu.memory_space<vmem>>) target(%dma_start3A_193 : memref<32x1x1024xf32, #tpu.memory_space<hbm>>) target_semaphore(%arg12 : memref<!tpu.dma_semaphore, #tpu.memory_space<semaphore_mem>>)
    %add3A_194 = arith.constant 0 : i32
    %add3A_195 = arith.addi %mul3A_2, %add3A_194 : i32
    %dma_start3A_196 = arith.constant 2 : i32
    %dma_start3A_197 = arith.constant 0 : i32
    %dma_start3A_198 = tpu.memref_slice %arg4[%add3A_195, %dma_start3A_196, %dma_start3A_197] : memref<8192x4x1024xf32, #tpu.memory_space<hbm>> -> memref<32x1x1024xf32, #tpu.memory_space<hbm>>
    %dma_start3A_199 = arith.constant 2 : i32
    %dma_start3A_200 = arith.constant 0 : i32
    %dma_start3A_201 = tpu.memref_slice %arg4[%add3A_195, %dma_start3A_199, %dma_start3A_200] : memref<8192x4x1024xf32, #tpu.memory_space<hbm>> -> memref<32x1x1024xf32, #tpu.memory_space<hbm>>
    tpu.enqueue_dma source(%arg6 : memref<32x1x1024xf32, #tpu.memory_space<vmem>>) target(%dma_start3A_201 : memref<32x1x1024xf32, #tpu.memory_space<hbm>>) target_semaphore(%arg12 : memref<!tpu.dma_semaphore, #tpu.memory_space<semaphore_mem>>)
    %add3A_202 = arith.constant 0 : i32
    %add3A_203 = arith.addi %mul3A_2, %add3A_202 : i32
    %dma_start3A_204 = arith.constant 3 : i32
    %dma_start3A_205 = arith.constant 0 : i32
    %dma_start3A_206 = tpu.memref_slice %arg4[%add3A_203, %dma_start3A_204, %dma_start3A_205] : memref<8192x4x1024xf32, #tpu.memory_space<hbm>> -> memref<32x1x1024xf32, #tpu.memory_space<hbm>>
    %dma_start3A_207 = arith.constant 3 : i32
    %dma_start3A_208 = arith.constant 0 : i32
    %dma_start3A_209 = tpu.memref_slice %arg4[%add3A_203, %dma_start3A_207, %dma_start3A_208] : memref<8192x4x1024xf32, #tpu.memory_space<hbm>> -> memref<32x1x1024xf32, #tpu.memory_space<hbm>>
    tpu.enqueue_dma source(%arg6 : memref<32x1x1024xf32, #tpu.memory_space<vmem>>) target(%dma_start3A_209 : memref<32x1x1024xf32, #tpu.memory_space<hbm>>) target_semaphore(%arg12 : memref<!tpu.dma_semaphore, #tpu.memory_space<semaphore_mem>>)
    %dma_start3A_210 = arith.constant 32 : i32
    %dma_start3A_211 = tpu.memref_slice %arg5[%dma_start3A_210] : memref<256xi32, #tpu.memory_space<vmem>> -> memref<32xi32, #tpu.memory_space<vmem>>
    %dma_start3A_212 = arith.constant 0 : i32
    %dma_start3A_213 = arith.constant 0 : i32
    %dma_start3A_214 = arith.constant 0 : i32
    %dma_start3A_215 = tpu.memref_slice %arg3[%dma_start3A_212, %dma_start3A_213, %dma_start3A_214] : memref<8192x1x1024xf32, #tpu.memory_space<hbm>> -> memref<8192x1x1024xf32, #tpu.memory_space<hbm>>
    tpu.enqueue_indirect_dma source(%dma_start3A_215 : memref<8192x1x1024xf32, #tpu.memory_space<hbm>>) target(%arg7 : memref<32x1x1024xf32, #tpu.memory_space<vmem>>) offsets(%dma_start3A_211 : memref<32xi32, #tpu.memory_space<vmem>>) semaphore(%arg10 : memref<!tpu.dma_semaphore, #tpu.memory_space<semaphore_mem>>)
    %dma_wait3A_216 = arith.constant 0 : i32
    %dma_wait3A_217 = arith.constant 0 : i32
    %dma_wait3A_218 = tpu.memref_slice %arg4[%add3A_179, %dma_wait3A_216, %dma_wait3A_217] : memref<8192x4x1024xf32, #tpu.memory_space<hbm>> -> memref<32x1x1024xf32, #tpu.memory_space<hbm>>
    %dma_wait3A_219 = arith.constant 0 : i32
    %dma_wait3A_220 = arith.constant 0 : i32
    %dma_wait3A_221 = tpu.memref_slice %arg4[%add3A_179, %dma_wait3A_219, %dma_wait3A_220] : memref<8192x4x1024xf32, #tpu.memory_space<hbm>> -> memref<32x1x1024xf32, #tpu.memory_space<hbm>>
    tpu.wait_dma2 semaphore(%arg12 : memref<!tpu.dma_semaphore, #tpu.memory_space<semaphore_mem>>) src(%arg6 : memref<32x1x1024xf32, #tpu.memory_space<vmem>>) dst(%dma_wait3A_221 : memref<32x1x1024xf32, #tpu.memory_space<hbm>>)
    %dma_wait3A_222 = arith.constant 1 : i32
    %dma_wait3A_223 = arith.constant 0 : i32
    %dma_wait3A_224 = tpu.memref_slice %arg4[%add3A_187, %dma_wait3A_222, %dma_wait3A_223] : memref<8192x4x1024xf32, #tpu.memory_space<hbm>> -> memref<32x1x1024xf32, #tpu.memory_space<hbm>>
    %dma_wait3A_225 = arith.constant 1 : i32
    %dma_wait3A_226 = arith.constant 0 : i32
    %dma_wait3A_227 = tpu.memref_slice %arg4[%add3A_187, %dma_wait3A_225, %dma_wait3A_226] : memref<8192x4x1024xf32, #tpu.memory_space<hbm>> -> memref<32x1x1024xf32, #tpu.memory_space<hbm>>
    tpu.wait_dma2 semaphore(%arg12 : memref<!tpu.dma_semaphore, #tpu.memory_space<semaphore_mem>>) src(%arg6 : memref<32x1x1024xf32, #tpu.memory_space<vmem>>) dst(%dma_wait3A_227 : memref<32x1x1024xf32, #tpu.memory_space<hbm>>)
    %dma_wait3A_228 = arith.constant 2 : i32
    %dma_wait3A_229 = arith.constant 0 : i32
    %dma_wait3A_230 = tpu.memref_slice %arg4[%add3A_195, %dma_wait3A_228, %dma_wait3A_229] : memref<8192x4x1024xf32, #tpu.memory_space<hbm>> -> memref<32x1x1024xf32, #tpu.memory_space<hbm>>
    %dma_wait3A_231 = arith.constant 2 : i32
    %dma_wait3A_232 = arith.constant 0 : i32
    %dma_wait3A_233 = tpu.memref_slice %arg4[%add3A_195, %dma_wait3A_231, %dma_wait3A_232] : memref<8192x4x1024xf32, #tpu.memory_space<hbm>> -> memref<32x1x1024xf32, #tpu.memory_space<hbm>>
    tpu.wait_dma2 semaphore(%arg12 : memref<!tpu.dma_semaphore, #tpu.memory_space<semaphore_mem>>) src(%arg6 : memref<32x1x1024xf32, #tpu.memory_space<vmem>>) dst(%dma_wait3A_233 : memref<32x1x1024xf32, #tpu.memory_space<hbm>>)
    %dma_wait3A_234 = arith.constant 3 : i32
    %dma_wait3A_235 = arith.constant 0 : i32
    %dma_wait3A_236 = tpu.memref_slice %arg4[%add3A_203, %dma_wait3A_234, %dma_wait3A_235] : memref<8192x4x1024xf32, #tpu.memory_space<hbm>> -> memref<32x1x1024xf32, #tpu.memory_space<hbm>>
    %dma_wait3A_237 = arith.constant 3 : i32
    %dma_wait3A_238 = arith.constant 0 : i32
    %dma_wait3A_239 = tpu.memref_slice %arg4[%add3A_203, %dma_wait3A_237, %dma_wait3A_238] : memref<8192x4x1024xf32, #tpu.memory_space<hbm>> -> memref<32x1x1024xf32, #tpu.memory_space<hbm>>
    tpu.wait_dma2 semaphore(%arg12 : memref<!tpu.dma_semaphore, #tpu.memory_space<semaphore_mem>>) src(%arg6 : memref<32x1x1024xf32, #tpu.memory_space<vmem>>) dst(%dma_wait3A_239 : memref<32x1x1024xf32, #tpu.memory_space<hbm>>)
    %dma_start3A_240 = arith.constant 96 : i32
    %dma_start3A_241 = tpu.memref_slice %arg5[%dma_start3A_240] : memref<256xi32, #tpu.memory_space<vmem>> -> memref<32xi32, #tpu.memory_space<vmem>>
    %dma_start3A_242 = arith.constant 0 : i32
    %dma_start3A_243 = arith.constant 0 : i32
    %dma_start3A_244 = arith.constant 0 : i32
    %dma_start3A_245 = tpu.memref_slice %arg3[%dma_start3A_242, %dma_start3A_243, %dma_start3A_244] : memref<8192x1x1024xf32, #tpu.memory_space<hbm>> -> memref<8192x1x1024xf32, #tpu.memory_space<hbm>>
    tpu.enqueue_indirect_dma source(%dma_start3A_245 : memref<8192x1x1024xf32, #tpu.memory_space<hbm>>) target(%arg6 : memref<32x1x1024xf32, #tpu.memory_space<vmem>>) offsets(%dma_start3A_241 : memref<32xi32, #tpu.memory_space<vmem>>) semaphore(%arg9 : memref<!tpu.dma_semaphore, #tpu.memory_space<semaphore_mem>>)
    %dma_wait3A_246 = arith.constant 32 : i32
    %dma_wait3A_247 = tpu.memref_slice %arg5[%dma_wait3A_246] : memref<256xi32, #tpu.memory_space<vmem>> -> memref<32xi32, #tpu.memory_space<vmem>>
    %dma_wait3A_248 = arith.constant 0 : i32
    %dma_wait3A_249 = arith.constant 0 : i32
    %dma_wait3A_250 = arith.constant 0 : i32
    %dma_wait3A_251 = tpu.memref_slice %arg3[%dma_wait3A_248, %dma_wait3A_249, %dma_wait3A_250] : memref<8192x1x1024xf32, #tpu.memory_space<hbm>> -> memref<8192x1x1024xf32, #tpu.memory_space<hbm>>
    tpu.wait_indirect_dma semaphore(%arg10 : memref<!tpu.dma_semaphore, #tpu.memory_space<semaphore_mem>>) src(%dma_wait3A_251 : memref<8192x1x1024xf32, #tpu.memory_space<hbm>>) dst(%arg7 : memref<32x1x1024xf32, #tpu.memory_space<vmem>>)
    %add3A_252 = arith.constant 32 : i32
    %add3A_253 = arith.addi %mul3A_2, %add3A_252 : i32
    %dma_start3A_254 = arith.constant 0 : i32
    %dma_start3A_255 = arith.constant 0 : i32
    %dma_start3A_256 = tpu.memref_slice %arg4[%add3A_253, %dma_start3A_254, %dma_start3A_255] : memref<8192x4x1024xf32, #tpu.memory_space<hbm>> -> memref<32x1x1024xf32, #tpu.memory_space<hbm>>
    %dma_start3A_257 = arith.constant 0 : i32
    %dma_start3A_258 = arith.constant 0 : i32
    %dma_start3A_259 = tpu.memref_slice %arg4[%add3A_253, %dma_start3A_257, %dma_start3A_258] : memref<8192x4x1024xf32, #tpu.memory_space<hbm>> -> memref<32x1x1024xf32, #tpu.memory_space<hbm>>
    tpu.enqueue_dma source(%arg7 : memref<32x1x1024xf32, #tpu.memory_space<vmem>>) target(%dma_start3A_259 : memref<32x1x1024xf32, #tpu.memory_space<hbm>>) target_semaphore(%arg13 : memref<!tpu.dma_semaphore, #tpu.memory_space<semaphore_mem>>)
    %add3A_260 = arith.constant 32 : i32
    %add3A_261 = arith.addi %mul3A_2, %add3A_260 : i32
    %dma_start3A_262 = arith.constant 1 : i32
    %dma_start3A_263 = arith.constant 0 : i32
    %dma_start3A_264 = tpu.memref_slice %arg4[%add3A_261, %dma_start3A_262, %dma_start3A_263] : memref<8192x4x1024xf32, #tpu.memory_space<hbm>> -> memref<32x1x1024xf32, #tpu.memory_space<hbm>>
    %dma_start3A_265 = arith.constant 1 : i32
    %dma_start3A_266 = arith.constant 0 : i32
    %dma_start3A_267 = tpu.memref_slice %arg4[%add3A_261, %dma_start3A_265, %dma_start3A_266] : memref<8192x4x1024xf32, #tpu.memory_space<hbm>> -> memref<32x1x1024xf32, #tpu.memory_space<hbm>>
    tpu.enqueue_dma source(%arg7 : memref<32x1x1024xf32, #tpu.memory_space<vmem>>) target(%dma_start3A_267 : memref<32x1x1024xf32, #tpu.memory_space<hbm>>) target_semaphore(%arg13 : memref<!tpu.dma_semaphore, #tpu.memory_space<semaphore_mem>>)
    %add3A_268 = arith.constant 32 : i32
    %add3A_269 = arith.addi %mul3A_2, %add3A_268 : i32
    %dma_start3A_270 = arith.constant 2 : i32
    %dma_start3A_271 = arith.constant 0 : i32
    %dma_start3A_272 = tpu.memref_slice %arg4[%add3A_269, %dma_start3A_270, %dma_start3A_271] : memref<8192x4x1024xf32, #tpu.memory_space<hbm>> -> memref<32x1x1024xf32, #tpu.memory_space<hbm>>
    %dma_start3A_273 = arith.constant 2 : i32
    %dma_start3A_274 = arith.constant 0 : i32
    %dma_start3A_275 = tpu.memref_slice %arg4[%add3A_269, %dma_start3A_273, %dma_start3A_274] : memref<8192x4x1024xf32, #tpu.memory_space<hbm>> -> memref<32x1x1024xf32, #tpu.memory_space<hbm>>
    tpu.enqueue_dma source(%arg7 : memref<32x1x1024xf32, #tpu.memory_space<vmem>>) target(%dma_start3A_275 : memref<32x1x1024xf32, #tpu.memory_space<hbm>>) target_semaphore(%arg13 : memref<!tpu.dma_semaphore, #tpu.memory_space<semaphore_mem>>)
    %add3A_276 = arith.constant 32 : i32
    %add3A_277 = arith.addi %mul3A_2, %add3A_276 : i32
    %dma_start3A_278 = arith.constant 3 : i32
    %dma_start3A_279 = arith.constant 0 : i32
    %dma_start3A_280 = tpu.memref_slice %arg4[%add3A_277, %dma_start3A_278, %dma_start3A_279] : memref<8192x4x1024xf32, #tpu.memory_space<hbm>> -> memref<32x1x1024xf32, #tpu.memory_space<hbm>>
    %dma_start3A_281 = arith.constant 3 : i32
    %dma_start3A_282 = arith.constant 0 : i32
    %dma_start3A_283 = tpu.memref_slice %arg4[%add3A_277, %dma_start3A_281, %dma_start3A_282] : memref<8192x4x1024xf32, #tpu.memory_space<hbm>> -> memref<32x1x1024xf32, #tpu.memory_space<hbm>>
    tpu.enqueue_dma source(%arg7 : memref<32x1x1024xf32, #tpu.memory_space<vmem>>) target(%dma_start3A_283 : memref<32x1x1024xf32, #tpu.memory_space<hbm>>) target_semaphore(%arg13 : memref<!tpu.dma_semaphore, #tpu.memory_space<semaphore_mem>>)
    %dma_wait3A_284 = arith.constant 0 : i32
    %dma_wait3A_285 = arith.constant 0 : i32
    %dma_wait3A_286 = tpu.memref_slice %arg4[%add3A_253, %dma_wait3A_284, %dma_wait3A_285] : memref<8192x4x1024xf32, #tpu.memory_space<hbm>> -> memref<32x1x1024xf32, #tpu.memory_space<hbm>>
    %dma_wait3A_287 = arith.constant 0 : i32
    %dma_wait3A_288 = arith.constant 0 : i32
    %dma_wait3A_289 = tpu.memref_slice %arg4[%add3A_253, %dma_wait3A_287, %dma_wait3A_288] : memref<8192x4x1024xf32, #tpu.memory_space<hbm>> -> memref<32x1x1024xf32, #tpu.memory_space<hbm>>
    tpu.wait_dma2 semaphore(%arg13 : memref<!tpu.dma_semaphore, #tpu.memory_space<semaphore_mem>>) src(%arg7 : memref<32x1x1024xf32, #tpu.memory_space<vmem>>) dst(%dma_wait3A_289 : memref<32x1x1024xf32, #tpu.memory_space<hbm>>)
    %dma_wait3A_290 = arith.constant 1 : i32
    %dma_wait3A_291 = arith.constant 0 : i32
    %dma_wait3A_292 = tpu.memref_slice %arg4[%add3A_261, %dma_wait3A_290, %dma_wait3A_291] : memref<8192x4x1024xf32, #tpu.memory_space<hbm>> -> memref<32x1x1024xf32, #tpu.memory_space<hbm>>
    %dma_wait3A_293 = arith.constant 1 : i32
    %dma_wait3A_294 = arith.constant 0 : i32
    %dma_wait3A_295 = tpu.memref_slice %arg4[%add3A_261, %dma_wait3A_293, %dma_wait3A_294] : memref<8192x4x1024xf32, #tpu.memory_space<hbm>> -> memref<32x1x1024xf32, #tpu.memory_space<hbm>>
    tpu.wait_dma2 semaphore(%arg13 : memref<!tpu.dma_semaphore, #tpu.memory_space<semaphore_mem>>) src(%arg7 : memref<32x1x1024xf32, #tpu.memory_space<vmem>>) dst(%dma_wait3A_295 : memref<32x1x1024xf32, #tpu.memory_space<hbm>>)
    %dma_wait3A_296 = arith.constant 2 : i32
    %dma_wait3A_297 = arith.constant 0 : i32
    %dma_wait3A_298 = tpu.memref_slice %arg4[%add3A_269, %dma_wait3A_296, %dma_wait3A_297] : memref<8192x4x1024xf32, #tpu.memory_space<hbm>> -> memref<32x1x1024xf32, #tpu.memory_space<hbm>>
    %dma_wait3A_299 = arith.constant 2 : i32
    %dma_wait3A_300 = arith.constant 0 : i32
    %dma_wait3A_301 = tpu.memref_slice %arg4[%add3A_269, %dma_wait3A_299, %dma_wait3A_300] : memref<8192x4x1024xf32, #tpu.memory_space<hbm>> -> memref<32x1x1024xf32, #tpu.memory_space<hbm>>
    tpu.wait_dma2 semaphore(%arg13 : memref<!tpu.dma_semaphore, #tpu.memory_space<semaphore_mem>>) src(%arg7 : memref<32x1x1024xf32, #tpu.memory_space<vmem>>) dst(%dma_wait3A_301 : memref<32x1x1024xf32, #tpu.memory_space<hbm>>)
    %dma_wait3A_302 = arith.constant 3 : i32
    %dma_wait3A_303 = arith.constant 0 : i32
    %dma_wait3A_304 = tpu.memref_slice %arg4[%add3A_277, %dma_wait3A_302, %dma_wait3A_303] : memref<8192x4x1024xf32, #tpu.memory_space<hbm>> -> memref<32x1x1024xf32, #tpu.memory_space<hbm>>
    %dma_wait3A_305 = arith.constant 3 : i32
    %dma_wait3A_306 = arith.constant 0 : i32
    %dma_wait3A_307 = tpu.memref_slice %arg4[%add3A_277, %dma_wait3A_305, %dma_wait3A_306] : memref<8192x4x1024xf32, #tpu.memory_space<hbm>> -> memref<32x1x1024xf32, #tpu.memory_space<hbm>>
    tpu.wait_dma2 semaphore(%arg13 : memref<!tpu.dma_semaphore, #tpu.memory_space<semaphore_mem>>) src(%arg7 : memref<32x1x1024xf32, #tpu.memory_space<vmem>>) dst(%dma_wait3A_307 : memref<32x1x1024xf32, #tpu.memory_space<hbm>>)
    %dma_start3A_308 = arith.constant 128 : i32
    %dma_start3A_309 = tpu.memref_slice %arg5[%dma_start3A_308] : memref<256xi32, #tpu.memory_space<vmem>> -> memref<32xi32, #tpu.memory_space<vmem>>
    %dma_start3A_310 = arith.constant 0 : i32
    %dma_start3A_311 = arith.constant 0 : i32
    %dma_start3A_312 = arith.constant 0 : i32
    %dma_start3A_313 = tpu.memref_slice %arg3[%dma_start3A_310, %dma_start3A_311, %dma_start3A_312] : memref<8192x1x1024xf32, #tpu.memory_space<hbm>> -> memref<8192x1x1024xf32, #tpu.memory_space<hbm>>
    tpu.enqueue_indirect_dma source(%dma_start3A_313 : memref<8192x1x1024xf32, #tpu.memory_space<hbm>>) target(%arg7 : memref<32x1x1024xf32, #tpu.memory_space<vmem>>) offsets(%dma_start3A_309 : memref<32xi32, #tpu.memory_space<vmem>>) semaphore(%arg10 : memref<!tpu.dma_semaphore, #tpu.memory_space<semaphore_mem>>)
    %dma_wait3A_314 = arith.constant 64 : i32
    %dma_wait3A_315 = tpu.memref_slice %arg5[%dma_wait3A_314] : memref<256xi32, #tpu.memory_space<vmem>> -> memref<32xi32, #tpu.memory_space<vmem>>
    %dma_wait3A_316 = arith.constant 0 : i32
    %dma_wait3A_317 = arith.constant 0 : i32
    %dma_wait3A_318 = arith.constant 0 : i32
    %dma_wait3A_319 = tpu.memref_slice %arg3[%dma_wait3A_316, %dma_wait3A_317, %dma_wait3A_318] : memref<8192x1x1024xf32, #tpu.memory_space<hbm>> -> memref<8192x1x1024xf32, #tpu.memory_space<hbm>>
    tpu.wait_indirect_dma semaphore(%arg11 : memref<!tpu.dma_semaphore, #tpu.memory_space<semaphore_mem>>) src(%dma_wait3A_319 : memref<8192x1x1024xf32, #tpu.memory_space<hbm>>) dst(%arg8 : memref<32x1x1024xf32, #tpu.memory_space<vmem>>)
    %add3A_320 = arith.constant 64 : i32
    %add3A_321 = arith.addi %mul3A_2, %add3A_320 : i32
    %dma_start3A_322 = arith.constant 0 : i32
    %dma_start3A_323 = arith.constant 0 : i32
    %dma_start3A_324 = tpu.memref_slice %arg4[%add3A_321, %dma_start3A_322, %dma_start3A_323] : memref<8192x4x1024xf32, #tpu.memory_space<hbm>> -> memref<32x1x1024xf32, #tpu.memory_space<hbm>>
    %dma_start3A_325 = arith.constant 0 : i32
    %dma_start3A_326 = arith.constant 0 : i32
    %dma_start3A_327 = tpu.memref_slice %arg4[%add3A_321, %dma_start3A_325, %dma_start3A_326] : memref<8192x4x1024xf32, #tpu.memory_space<hbm>> -> memref<32x1x1024xf32, #tpu.memory_space<hbm>>
    tpu.enqueue_dma source(%arg8 : memref<32x1x1024xf32, #tpu.memory_space<vmem>>) target(%dma_start3A_327 : memref<32x1x1024xf32, #tpu.memory_space<hbm>>) target_semaphore(%arg14 : memref<!tpu.dma_semaphore, #tpu.memory_space<semaphore_mem>>)
    %add3A_328 = arith.constant 64 : i32
    %add3A_329 = arith.addi %mul3A_2, %add3A_328 : i32
    %dma_start3A_330 = arith.constant 1 : i32
    %dma_start3A_331 = arith.constant 0 : i32
    %dma_start3A_332 = tpu.memref_slice %arg4[%add3A_329, %dma_start3A_330, %dma_start3A_331] : memref<8192x4x1024xf32, #tpu.memory_space<hbm>> -> memref<32x1x1024xf32, #tpu.memory_space<hbm>>
    %dma_start3A_333 = arith.constant 1 : i32
    %dma_start3A_334 = arith.constant 0 : i32
    %dma_start3A_335 = tpu.memref_slice %arg4[%add3A_329, %dma_start3A_333, %dma_start3A_334] : memref<8192x4x1024xf32, #tpu.memory_space<hbm>> -> memref<32x1x1024xf32, #tpu.memory_space<hbm>>
    tpu.enqueue_dma source(%arg8 : memref<32x1x1024xf32, #tpu.memory_space<vmem>>) target(%dma_start3A_335 : memref<32x1x1024xf32, #tpu.memory_space<hbm>>) target_semaphore(%arg14 : memref<!tpu.dma_semaphore, #tpu.memory_space<semaphore_mem>>)
    %add3A_336 = arith.constant 64 : i32
    %add3A_337 = arith.addi %mul3A_2, %add3A_336 : i32
    %dma_start3A_338 = arith.constant 2 : i32
    %dma_start3A_339 = arith.constant 0 : i32
    %dma_start3A_340 = tpu.memref_slice %arg4[%add3A_337, %dma_start3A_338, %dma_start3A_339] : memref<8192x4x1024xf32, #tpu.memory_space<hbm>> -> memref<32x1x1024xf32, #tpu.memory_space<hbm>>
    %dma_start3A_341 = arith.constant 2 : i32
    %dma_start3A_342 = arith.constant 0 : i32
    %dma_start3A_343 = tpu.memref_slice %arg4[%add3A_337, %dma_start3A_341, %dma_start3A_342] : memref<8192x4x1024xf32, #tpu.memory_space<hbm>> -> memref<32x1x1024xf32, #tpu.memory_space<hbm>>
    tpu.enqueue_dma source(%arg8 : memref<32x1x1024xf32, #tpu.memory_space<vmem>>) target(%dma_start3A_343 : memref<32x1x1024xf32, #tpu.memory_space<hbm>>) target_semaphore(%arg14 : memref<!tpu.dma_semaphore, #tpu.memory_space<semaphore_mem>>)
    %add3A_344 = arith.constant 64 : i32
    %add3A_345 = arith.addi %mul3A_2, %add3A_344 : i32
    %dma_start3A_346 = arith.constant 3 : i32
    %dma_start3A_347 = arith.constant 0 : i32
    %dma_start3A_348 = tpu.memref_slice %arg4[%add3A_345, %dma_start3A_346, %dma_start3A_347] : memref<8192x4x1024xf32, #tpu.memory_space<hbm>> -> memref<32x1x1024xf32, #tpu.memory_space<hbm>>
    %dma_start3A_349 = arith.constant 3 : i32
    %dma_start3A_350 = arith.constant 0 : i32
    %dma_start3A_351 = tpu.memref_slice %arg4[%add3A_345, %dma_start3A_349, %dma_start3A_350] : memref<8192x4x1024xf32, #tpu.memory_space<hbm>> -> memref<32x1x1024xf32, #tpu.memory_space<hbm>>
    tpu.enqueue_dma source(%arg8 : memref<32x1x1024xf32, #tpu.memory_space<vmem>>) target(%dma_start3A_351 : memref<32x1x1024xf32, #tpu.memory_space<hbm>>) target_semaphore(%arg14 : memref<!tpu.dma_semaphore, #tpu.memory_space<semaphore_mem>>)
    %dma_wait3A_352 = arith.constant 0 : i32
    %dma_wait3A_353 = arith.constant 0 : i32
    %dma_wait3A_354 = tpu.memref_slice %arg4[%add3A_321, %dma_wait3A_352, %dma_wait3A_353] : memref<8192x4x1024xf32, #tpu.memory_space<hbm>> -> memref<32x1x1024xf32, #tpu.memory_space<hbm>>
    %dma_wait3A_355 = arith.constant 0 : i32
    %dma_wait3A_356 = arith.constant 0 : i32
    %dma_wait3A_357 = tpu.memref_slice %arg4[%add3A_321, %dma_wait3A_355, %dma_wait3A_356] : memref<8192x4x1024xf32, #tpu.memory_space<hbm>> -> memref<32x1x1024xf32, #tpu.memory_space<hbm>>
    tpu.wait_dma2 semaphore(%arg14 : memref<!tpu.dma_semaphore, #tpu.memory_space<semaphore_mem>>) src(%arg8 : memref<32x1x1024xf32, #tpu.memory_space<vmem>>) dst(%dma_wait3A_357 : memref<32x1x1024xf32, #tpu.memory_space<hbm>>)
    %dma_wait3A_358 = arith.constant 1 : i32
    %dma_wait3A_359 = arith.constant 0 : i32
    %dma_wait3A_360 = tpu.memref_slice %arg4[%add3A_329, %dma_wait3A_358, %dma_wait3A_359] : memref<8192x4x1024xf32, #tpu.memory_space<hbm>> -> memref<32x1x1024xf32, #tpu.memory_space<hbm>>
    %dma_wait3A_361 = arith.constant 1 : i32
    %dma_wait3A_362 = arith.constant 0 : i32
    %dma_wait3A_363 = tpu.memref_slice %arg4[%add3A_329, %dma_wait3A_361, %dma_wait3A_362] : memref<8192x4x1024xf32, #tpu.memory_space<hbm>> -> memref<32x1x1024xf32, #tpu.memory_space<hbm>>
    tpu.wait_dma2 semaphore(%arg14 : memref<!tpu.dma_semaphore, #tpu.memory_space<semaphore_mem>>) src(%arg8 : memref<32x1x1024xf32, #tpu.memory_space<vmem>>) dst(%dma_wait3A_363 : memref<32x1x1024xf32, #tpu.memory_space<hbm>>)
    %dma_wait3A_364 = arith.constant 2 : i32
    %dma_wait3A_365 = arith.constant 0 : i32
    %dma_wait3A_366 = tpu.memref_slice %arg4[%add3A_337, %dma_wait3A_364, %dma_wait3A_365] : memref<8192x4x1024xf32, #tpu.memory_space<hbm>> -> memref<32x1x1024xf32, #tpu.memory_space<hbm>>
    %dma_wait3A_367 = arith.constant 2 : i32
    %dma_wait3A_368 = arith.constant 0 : i32
    %dma_wait3A_369 = tpu.memref_slice %arg4[%add3A_337, %dma_wait3A_367, %dma_wait3A_368] : memref<8192x4x1024xf32, #tpu.memory_space<hbm>> -> memref<32x1x1024xf32, #tpu.memory_space<hbm>>
    tpu.wait_dma2 semaphore(%arg14 : memref<!tpu.dma_semaphore, #tpu.memory_space<semaphore_mem>>) src(%arg8 : memref<32x1x1024xf32, #tpu.memory_space<vmem>>) dst(%dma_wait3A_369 : memref<32x1x1024xf32, #tpu.memory_space<hbm>>)
    %dma_wait3A_370 = arith.constant 3 : i32
    %dma_wait3A_371 = arith.constant 0 : i32
    %dma_wait3A_372 = tpu.memref_slice %arg4[%add3A_345, %dma_wait3A_370, %dma_wait3A_371] : memref<8192x4x1024xf32, #tpu.memory_space<hbm>> -> memref<32x1x1024xf32, #tpu.memory_space<hbm>>
    %dma_wait3A_373 = arith.constant 3 : i32
    %dma_wait3A_374 = arith.constant 0 : i32
    %dma_wait3A_375 = tpu.memref_slice %arg4[%add3A_345, %dma_wait3A_373, %dma_wait3A_374] : memref<8192x4x1024xf32, #tpu.memory_space<hbm>> -> memref<32x1x1024xf32, #tpu.memory_space<hbm>>
    tpu.wait_dma2 semaphore(%arg14 : memref<!tpu.dma_semaphore, #tpu.memory_space<semaphore_mem>>) src(%arg8 : memref<32x1x1024xf32, #tpu.memory_space<vmem>>) dst(%dma_wait3A_375 : memref<32x1x1024xf32, #tpu.memory_space<hbm>>)
    %dma_start3A_376 = arith.constant 160 : i32
    %dma_start3A_377 = tpu.memref_slice %arg5[%dma_start3A_376] : memref<256xi32, #tpu.memory_space<vmem>> -> memref<32xi32, #tpu.memory_space<vmem>>
    %dma_start3A_378 = arith.constant 0 : i32
    %dma_start3A_379 = arith.constant 0 : i32
    %dma_start3A_380 = arith.constant 0 : i32
    %dma_start3A_381 = tpu.memref_slice %arg3[%dma_start3A_378, %dma_start3A_379, %dma_start3A_380] : memref<8192x1x1024xf32, #tpu.memory_space<hbm>> -> memref<8192x1x1024xf32, #tpu.memory_space<hbm>>
    tpu.enqueue_indirect_dma source(%dma_start3A_381 : memref<8192x1x1024xf32, #tpu.memory_space<hbm>>) target(%arg8 : memref<32x1x1024xf32, #tpu.memory_space<vmem>>) offsets(%dma_start3A_377 : memref<32xi32, #tpu.memory_space<vmem>>) semaphore(%arg11 : memref<!tpu.dma_semaphore, #tpu.memory_space<semaphore_mem>>)
    %dma_wait3A_382 = arith.constant 96 : i32
    %dma_wait3A_383 = tpu.memref_slice %arg5[%dma_wait3A_382] : memref<256xi32, #tpu.memory_space<vmem>> -> memref<32xi32, #tpu.memory_space<vmem>>
    %dma_wait3A_384 = arith.constant 0 : i32
    %dma_wait3A_385 = arith.constant 0 : i32
    %dma_wait3A_386 = arith.constant 0 : i32
    %dma_wait3A_387 = tpu.memref_slice %arg3[%dma_wait3A_384, %dma_wait3A_385, %dma_wait3A_386] : memref<8192x1x1024xf32, #tpu.memory_space<hbm>> -> memref<8192x1x1024xf32, #tpu.memory_space<hbm>>
    tpu.wait_indirect_dma semaphore(%arg9 : memref<!tpu.dma_semaphore, #tpu.memory_space<semaphore_mem>>) src(%dma_wait3A_387 : memref<8192x1x1024xf32, #tpu.memory_space<hbm>>) dst(%arg6 : memref<32x1x1024xf32, #tpu.memory_space<vmem>>)
    %add3A_388 = arith.constant 96 : i32
    %add3A_389 = arith.addi %mul3A_2, %add3A_388 : i32
    %dma_start3A_390 = arith.constant 0 : i32
    %dma_start3A_391 = arith.constant 0 : i32
    %dma_start3A_392 = tpu.memref_slice %arg4[%add3A_389, %dma_start3A_390, %dma_start3A_391] : memref<8192x4x1024xf32, #tpu.memory_space<hbm>> -> memref<32x1x1024xf32, #tpu.memory_space<hbm>>
    %dma_start3A_393 = arith.constant 0 : i32
    %dma_start3A_394 = arith.constant 0 : i32
    %dma_start3A_395 = tpu.memref_slice %arg4[%add3A_389, %dma_start3A_393, %dma_start3A_394] : memref<8192x4x1024xf32, #tpu.memory_space<hbm>> -> memref<32x1x1024xf32, #tpu.memory_space<hbm>>
    tpu.enqueue_dma source(%arg6 : memref<32x1x1024xf32, #tpu.memory_space<vmem>>) target(%dma_start3A_395 : memref<32x1x1024xf32, #tpu.memory_space<hbm>>) target_semaphore(%arg12 : memref<!tpu.dma_semaphore, #tpu.memory_space<semaphore_mem>>)
    %add3A_396 = arith.constant 96 : i32
    %add3A_397 = arith.addi %mul3A_2, %add3A_396 : i32
    %dma_start3A_398 = arith.constant 1 : i32
    %dma_start3A_399 = arith.constant 0 : i32
    %dma_start3A_400 = tpu.memref_slice %arg4[%add3A_397, %dma_start3A_398, %dma_start3A_399] : memref<8192x4x1024xf32, #tpu.memory_space<hbm>> -> memref<32x1x1024xf32, #tpu.memory_space<hbm>>
    %dma_start3A_401 = arith.constant 1 : i32
    %dma_start3A_402 = arith.constant 0 : i32
    %dma_start3A_403 = tpu.memref_slice %arg4[%add3A_397, %dma_start3A_401, %dma_start3A_402] : memref<8192x4x1024xf32, #tpu.memory_space<hbm>> -> memref<32x1x1024xf32, #tpu.memory_space<hbm>>
    tpu.enqueue_dma source(%arg6 : memref<32x1x1024xf32, #tpu.memory_space<vmem>>) target(%dma_start3A_403 : memref<32x1x1024xf32, #tpu.memory_space<hbm>>) target_semaphore(%arg12 : memref<!tpu.dma_semaphore, #tpu.memory_space<semaphore_mem>>)
    %add3A_404 = arith.constant 96 : i32
    %add3A_405 = arith.addi %mul3A_2, %add3A_404 : i32
    %dma_start3A_406 = arith.constant 2 : i32
    %dma_start3A_407 = arith.constant 0 : i32
    %dma_start3A_408 = tpu.memref_slice %arg4[%add3A_405, %dma_start3A_406, %dma_start3A_407] : memref<8192x4x1024xf32, #tpu.memory_space<hbm>> -> memref<32x1x1024xf32, #tpu.memory_space<hbm>>
    %dma_start3A_409 = arith.constant 2 : i32
    %dma_start3A_410 = arith.constant 0 : i32
    %dma_start3A_411 = tpu.memref_slice %arg4[%add3A_405, %dma_start3A_409, %dma_start3A_410] : memref<8192x4x1024xf32, #tpu.memory_space<hbm>> -> memref<32x1x1024xf32, #tpu.memory_space<hbm>>
    tpu.enqueue_dma source(%arg6 : memref<32x1x1024xf32, #tpu.memory_space<vmem>>) target(%dma_start3A_411 : memref<32x1x1024xf32, #tpu.memory_space<hbm>>) target_semaphore(%arg12 : memref<!tpu.dma_semaphore, #tpu.memory_space<semaphore_mem>>)
    %add3A_412 = arith.constant 96 : i32
    %add3A_413 = arith.addi %mul3A_2, %add3A_412 : i32
    %dma_start3A_414 = arith.constant 3 : i32
    %dma_start3A_415 = arith.constant 0 : i32
    %dma_start3A_416 = tpu.memref_slice %arg4[%add3A_413, %dma_start3A_414, %dma_start3A_415] : memref<8192x4x1024xf32, #tpu.memory_space<hbm>> -> memref<32x1x1024xf32, #tpu.memory_space<hbm>>
    %dma_start3A_417 = arith.constant 3 : i32
    %dma_start3A_418 = arith.constant 0 : i32
    %dma_start3A_419 = tpu.memref_slice %arg4[%add3A_413, %dma_start3A_417, %dma_start3A_418] : memref<8192x4x1024xf32, #tpu.memory_space<hbm>> -> memref<32x1x1024xf32, #tpu.memory_space<hbm>>
    tpu.enqueue_dma source(%arg6 : memref<32x1x1024xf32, #tpu.memory_space<vmem>>) target(%dma_start3A_419 : memref<32x1x1024xf32, #tpu.memory_space<hbm>>) target_semaphore(%arg12 : memref<!tpu.dma_semaphore, #tpu.memory_space<semaphore_mem>>)
    %dma_wait3A_420 = arith.constant 0 : i32
    %dma_wait3A_421 = arith.constant 0 : i32
    %dma_wait3A_422 = tpu.memref_slice %arg4[%add3A_389, %dma_wait3A_420, %dma_wait3A_421] : memref<8192x4x1024xf32, #tpu.memory_space<hbm>> -> memref<32x1x1024xf32, #tpu.memory_space<hbm>>
    %dma_wait3A_423 = arith.constant 0 : i32
    %dma_wait3A_424 = arith.constant 0 : i32
    %dma_wait3A_425 = tpu.memref_slice %arg4[%add3A_389, %dma_wait3A_423, %dma_wait3A_424] : memref<8192x4x1024xf32, #tpu.memory_space<hbm>> -> memref<32x1x1024xf32, #tpu.memory_space<hbm>>
    tpu.wait_dma2 semaphore(%arg12 : memref<!tpu.dma_semaphore, #tpu.memory_space<semaphore_mem>>) src(%arg6 : memref<32x1x1024xf32, #tpu.memory_space<vmem>>) dst(%dma_wait3A_425 : memref<32x1x1024xf32, #tpu.memory_space<hbm>>)
    %dma_wait3A_426 = arith.constant 1 : i32
    %dma_wait3A_427 = arith.constant 0 : i32
    %dma_wait3A_428 = tpu.memref_slice %arg4[%add3A_397, %dma_wait3A_426, %dma_wait3A_427] : memref<8192x4x1024xf32, #tpu.memory_space<hbm>> -> memref<32x1x1024xf32, #tpu.memory_space<hbm>>
    %dma_wait3A_429 = arith.constant 1 : i32
    %dma_wait3A_430 = arith.constant 0 : i32
    %dma_wait3A_431 = tpu.memref_slice %arg4[%add3A_397, %dma_wait3A_429, %dma_wait3A_430] : memref<8192x4x1024xf32, #tpu.memory_space<hbm>> -> memref<32x1x1024xf32, #tpu.memory_space<hbm>>
    tpu.wait_dma2 semaphore(%arg12 : memref<!tpu.dma_semaphore, #tpu.memory_space<semaphore_mem>>) src(%arg6 : memref<32x1x1024xf32, #tpu.memory_space<vmem>>) dst(%dma_wait3A_431 : memref<32x1x1024xf32, #tpu.memory_space<hbm>>)
    %dma_wait3A_432 = arith.constant 2 : i32
    %dma_wait3A_433 = arith.constant 0 : i32
    %dma_wait3A_434 = tpu.memref_slice %arg4[%add3A_405, %dma_wait3A_432, %dma_wait3A_433] : memref<8192x4x1024xf32, #tpu.memory_space<hbm>> -> memref<32x1x1024xf32, #tpu.memory_space<hbm>>
    %dma_wait3A_435 = arith.constant 2 : i32
    %dma_wait3A_436 = arith.constant 0 : i32
    %dma_wait3A_437 = tpu.memref_slice %arg4[%add3A_405, %dma_wait3A_435, %dma_wait3A_436] : memref<8192x4x1024xf32, #tpu.memory_space<hbm>> -> memref<32x1x1024xf32, #tpu.memory_space<hbm>>
    tpu.wait_dma2 semaphore(%arg12 : memref<!tpu.dma_semaphore, #tpu.memory_space<semaphore_mem>>) src(%arg6 : memref<32x1x1024xf32, #tpu.memory_space<vmem>>) dst(%dma_wait3A_437 : memref<32x1x1024xf32, #tpu.memory_space<hbm>>)
    %dma_wait3A_438 = arith.constant 3 : i32
    %dma_wait3A_439 = arith.constant 0 : i32
    %dma_wait3A_440 = tpu.memref_slice %arg4[%add3A_413, %dma_wait3A_438, %dma_wait3A_439] : memref<8192x4x1024xf32, #tpu.memory_space<hbm>> -> memref<32x1x1024xf32, #tpu.memory_space<hbm>>
    %dma_wait3A_441 = arith.constant 3 : i32
    %dma_wait3A_442 = arith.constant 0 : i32
    %dma_wait3A_443 = tpu.memref_slice %arg4[%add3A_413, %dma_wait3A_441, %dma_wait3A_442] : memref<8192x4x1024xf32, #tpu.memory_space<hbm>> -> memref<32x1x1024xf32, #tpu.memory_space<hbm>>
    tpu.wait_dma2 semaphore(%arg12 : memref<!tpu.dma_semaphore, #tpu.memory_space<semaphore_mem>>) src(%arg6 : memref<32x1x1024xf32, #tpu.memory_space<vmem>>) dst(%dma_wait3A_443 : memref<32x1x1024xf32, #tpu.memory_space<hbm>>)
    %dma_start3A_444 = arith.constant 192 : i32
    %dma_start3A_445 = tpu.memref_slice %arg5[%dma_start3A_444] : memref<256xi32, #tpu.memory_space<vmem>> -> memref<32xi32, #tpu.memory_space<vmem>>
    %dma_start3A_446 = arith.constant 0 : i32
    %dma_start3A_447 = arith.constant 0 : i32
    %dma_start3A_448 = arith.constant 0 : i32
    %dma_start3A_449 = tpu.memref_slice %arg3[%dma_start3A_446, %dma_start3A_447, %dma_start3A_448] : memref<8192x1x1024xf32, #tpu.memory_space<hbm>> -> memref<8192x1x1024xf32, #tpu.memory_space<hbm>>
    tpu.enqueue_indirect_dma source(%dma_start3A_449 : memref<8192x1x1024xf32, #tpu.memory_space<hbm>>) target(%arg6 : memref<32x1x1024xf32, #tpu.memory_space<vmem>>) offsets(%dma_start3A_445 : memref<32xi32, #tpu.memory_space<vmem>>) semaphore(%arg9 : memref<!tpu.dma_semaphore, #tpu.memory_space<semaphore_mem>>)
    %dma_wait3A_450 = arith.constant 128 : i32
    %dma_wait3A_451 = tpu.memref_slice %arg5[%dma_wait3A_450] : memref<256xi32, #tpu.memory_space<vmem>> -> memref<32xi32, #tpu.memory_space<vmem>>
    %dma_wait3A_452 = arith.constant 0 : i32
    %dma_wait3A_453 = arith.constant 0 : i32
    %dma_wait3A_454 = arith.constant 0 : i32
    %dma_wait3A_455 = tpu.memref_slice %arg3[%dma_wait3A_452, %dma_wait3A_453, %dma_wait3A_454] : memref<8192x1x1024xf32, #tpu.memory_space<hbm>> -> memref<8192x1x1024xf32, #tpu.memory_space<hbm>>
    tpu.wait_indirect_dma semaphore(%arg10 : memref<!tpu.dma_semaphore, #tpu.memory_space<semaphore_mem>>) src(%dma_wait3A_455 : memref<8192x1x1024xf32, #tpu.memory_space<hbm>>) dst(%arg7 : memref<32x1x1024xf32, #tpu.memory_space<vmem>>)
    %add3A_456 = arith.constant 128 : i32
    %add3A_457 = arith.addi %mul3A_2, %add3A_456 : i32
    %dma_start3A_458 = arith.constant 0 : i32
    %dma_start3A_459 = arith.constant 0 : i32
    %dma_start3A_460 = tpu.memref_slice %arg4[%add3A_457, %dma_start3A_458, %dma_start3A_459] : memref<8192x4x1024xf32, #tpu.memory_space<hbm>> -> memref<32x1x1024xf32, #tpu.memory_space<hbm>>
    %dma_start3A_461 = arith.constant 0 : i32
    %dma_start3A_462 = arith.constant 0 : i32
    %dma_start3A_463 = tpu.memref_slice %arg4[%add3A_457, %dma_start3A_461, %dma_start3A_462] : memref<8192x4x1024xf32, #tpu.memory_space<hbm>> -> memref<32x1x1024xf32, #tpu.memory_space<hbm>>
    tpu.enqueue_dma source(%arg7 : memref<32x1x1024xf32, #tpu.memory_space<vmem>>) target(%dma_start3A_463 : memref<32x1x1024xf32, #tpu.memory_space<hbm>>) target_semaphore(%arg13 : memref<!tpu.dma_semaphore, #tpu.memory_space<semaphore_mem>>)
    %add3A_464 = arith.constant 128 : i32
    %add3A_465 = arith.addi %mul3A_2, %add3A_464 : i32
    %dma_start3A_466 = arith.constant 1 : i32
    %dma_start3A_467 = arith.constant 0 : i32
    %dma_start3A_468 = tpu.memref_slice %arg4[%add3A_465, %dma_start3A_466, %dma_start3A_467] : memref<8192x4x1024xf32, #tpu.memory_space<hbm>> -> memref<32x1x1024xf32, #tpu.memory_space<hbm>>
    %dma_start3A_469 = arith.constant 1 : i32
    %dma_start3A_470 = arith.constant 0 : i32
    %dma_start3A_471 = tpu.memref_slice %arg4[%add3A_465, %dma_start3A_469, %dma_start3A_470] : memref<8192x4x1024xf32, #tpu.memory_space<hbm>> -> memref<32x1x1024xf32, #tpu.memory_space<hbm>>
    tpu.enqueue_dma source(%arg7 : memref<32x1x1024xf32, #tpu.memory_space<vmem>>) target(%dma_start3A_471 : memref<32x1x1024xf32, #tpu.memory_space<hbm>>) target_semaphore(%arg13 : memref<!tpu.dma_semaphore, #tpu.memory_space<semaphore_mem>>)
    %add3A_472 = arith.constant 128 : i32
    %add3A_473 = arith.addi %mul3A_2, %add3A_472 : i32
    %dma_start3A_474 = arith.constant 2 : i32
    %dma_start3A_475 = arith.constant 0 : i32
    %dma_start3A_476 = tpu.memref_slice %arg4[%add3A_473, %dma_start3A_474, %dma_start3A_475] : memref<8192x4x1024xf32, #tpu.memory_space<hbm>> -> memref<32x1x1024xf32, #tpu.memory_space<hbm>>
    %dma_start3A_477 = arith.constant 2 : i32
    %dma_start3A_478 = arith.constant 0 : i32
    %dma_start3A_479 = tpu.memref_slice %arg4[%add3A_473, %dma_start3A_477, %dma_start3A_478] : memref<8192x4x1024xf32, #tpu.memory_space<hbm>> -> memref<32x1x1024xf32, #tpu.memory_space<hbm>>
    tpu.enqueue_dma source(%arg7 : memref<32x1x1024xf32, #tpu.memory_space<vmem>>) target(%dma_start3A_479 : memref<32x1x1024xf32, #tpu.memory_space<hbm>>) target_semaphore(%arg13 : memref<!tpu.dma_semaphore, #tpu.memory_space<semaphore_mem>>)
    %add3A_480 = arith.constant 128 : i32
    %add3A_481 = arith.addi %mul3A_2, %add3A_480 : i32
    %dma_start3A_482 = arith.constant 3 : i32
    %dma_start3A_483 = arith.constant 0 : i32
    %dma_start3A_484 = tpu.memref_slice %arg4[%add3A_481, %dma_start3A_482, %dma_start3A_483] : memref<8192x4x1024xf32, #tpu.memory_space<hbm>> -> memref<32x1x1024xf32, #tpu.memory_space<hbm>>
    %dma_start3A_485 = arith.constant 3 : i32
    %dma_start3A_486 = arith.constant 0 : i32
    %dma_start3A_487 = tpu.memref_slice %arg4[%add3A_481, %dma_start3A_485, %dma_start3A_486] : memref<8192x4x1024xf32, #tpu.memory_space<hbm>> -> memref<32x1x1024xf32, #tpu.memory_space<hbm>>
    tpu.enqueue_dma source(%arg7 : memref<32x1x1024xf32, #tpu.memory_space<vmem>>) target(%dma_start3A_487 : memref<32x1x1024xf32, #tpu.memory_space<hbm>>) target_semaphore(%arg13 : memref<!tpu.dma_semaphore, #tpu.memory_space<semaphore_mem>>)
    %dma_wait3A_488 = arith.constant 0 : i32
    %dma_wait3A_489 = arith.constant 0 : i32
    %dma_wait3A_490 = tpu.memref_slice %arg4[%add3A_457, %dma_wait3A_488, %dma_wait3A_489] : memref<8192x4x1024xf32, #tpu.memory_space<hbm>> -> memref<32x1x1024xf32, #tpu.memory_space<hbm>>
    %dma_wait3A_491 = arith.constant 0 : i32
    %dma_wait3A_492 = arith.constant 0 : i32
    %dma_wait3A_493 = tpu.memref_slice %arg4[%add3A_457, %dma_wait3A_491, %dma_wait3A_492] : memref<8192x4x1024xf32, #tpu.memory_space<hbm>> -> memref<32x1x1024xf32, #tpu.memory_space<hbm>>
    tpu.wait_dma2 semaphore(%arg13 : memref<!tpu.dma_semaphore, #tpu.memory_space<semaphore_mem>>) src(%arg7 : memref<32x1x1024xf32, #tpu.memory_space<vmem>>) dst(%dma_wait3A_493 : memref<32x1x1024xf32, #tpu.memory_space<hbm>>)
    %dma_wait3A_494 = arith.constant 1 : i32
    %dma_wait3A_495 = arith.constant 0 : i32
    %dma_wait3A_496 = tpu.memref_slice %arg4[%add3A_465, %dma_wait3A_494, %dma_wait3A_495] : memref<8192x4x1024xf32, #tpu.memory_space<hbm>> -> memref<32x1x1024xf32, #tpu.memory_space<hbm>>
    %dma_wait3A_497 = arith.constant 1 : i32
    %dma_wait3A_498 = arith.constant 0 : i32
    %dma_wait3A_499 = tpu.memref_slice %arg4[%add3A_465, %dma_wait3A_497, %dma_wait3A_498] : memref<8192x4x1024xf32, #tpu.memory_space<hbm>> -> memref<32x1x1024xf32, #tpu.memory_space<hbm>>
    tpu.wait_dma2 semaphore(%arg13 : memref<!tpu.dma_semaphore, #tpu.memory_space<semaphore_mem>>) src(%arg7 : memref<32x1x1024xf32, #tpu.memory_space<vmem>>) dst(%dma_wait3A_499 : memref<32x1x1024xf32, #tpu.memory_space<hbm>>)
    %dma_wait3A_500 = arith.constant 2 : i32
    %dma_wait3A_501 = arith.constant 0 : i32
    %dma_wait3A_502 = tpu.memref_slice %arg4[%add3A_473, %dma_wait3A_500, %dma_wait3A_501] : memref<8192x4x1024xf32, #tpu.memory_space<hbm>> -> memref<32x1x1024xf32, #tpu.memory_space<hbm>>
    %dma_wait3A_503 = arith.constant 2 : i32
    %dma_wait3A_504 = arith.constant 0 : i32
    %dma_wait3A_505 = tpu.memref_slice %arg4[%add3A_473, %dma_wait3A_503, %dma_wait3A_504] : memref<8192x4x1024xf32, #tpu.memory_space<hbm>> -> memref<32x1x1024xf32, #tpu.memory_space<hbm>>
    tpu.wait_dma2 semaphore(%arg13 : memref<!tpu.dma_semaphore, #tpu.memory_space<semaphore_mem>>) src(%arg7 : memref<32x1x1024xf32, #tpu.memory_space<vmem>>) dst(%dma_wait3A_505 : memref<32x1x1024xf32, #tpu.memory_space<hbm>>)
    %dma_wait3A_506 = arith.constant 3 : i32
    %dma_wait3A_507 = arith.constant 0 : i32
    %dma_wait3A_508 = tpu.memref_slice %arg4[%add3A_481, %dma_wait3A_506, %dma_wait3A_507] : memref<8192x4x1024xf32, #tpu.memory_space<hbm>> -> memref<32x1x1024xf32, #tpu.memory_space<hbm>>
    %dma_wait3A_509 = arith.constant 3 : i32
    %dma_wait3A_510 = arith.constant 0 : i32
    %dma_wait3A_511 = tpu.memref_slice %arg4[%add3A_481, %dma_wait3A_509, %dma_wait3A_510] : memref<8192x4x1024xf32, #tpu.memory_space<hbm>> -> memref<32x1x1024xf32, #tpu.memory_space<hbm>>
    tpu.wait_dma2 semaphore(%arg13 : memref<!tpu.dma_semaphore, #tpu.memory_space<semaphore_mem>>) src(%arg7 : memref<32x1x1024xf32, #tpu.memory_space<vmem>>) dst(%dma_wait3A_511 : memref<32x1x1024xf32, #tpu.memory_space<hbm>>)
    %dma_start3A_512 = arith.constant 224 : i32
    %dma_start3A_513 = tpu.memref_slice %arg5[%dma_start3A_512] : memref<256xi32, #tpu.memory_space<vmem>> -> memref<32xi32, #tpu.memory_space<vmem>>
    %dma_start3A_514 = arith.constant 0 : i32
    %dma_start3A_515 = arith.constant 0 : i32
    %dma_start3A_516 = arith.constant 0 : i32
    %dma_start3A_517 = tpu.memref_slice %arg3[%dma_start3A_514, %dma_start3A_515, %dma_start3A_516] : memref<8192x1x1024xf32, #tpu.memory_space<hbm>> -> memref<8192x1x1024xf32, #tpu.memory_space<hbm>>
    tpu.enqueue_indirect_dma source(%dma_start3A_517 : memref<8192x1x1024xf32, #tpu.memory_space<hbm>>) target(%arg7 : memref<32x1x1024xf32, #tpu.memory_space<vmem>>) offsets(%dma_start3A_513 : memref<32xi32, #tpu.memory_space<vmem>>) semaphore(%arg10 : memref<!tpu.dma_semaphore, #tpu.memory_space<semaphore_mem>>)
    %dma_wait3A_518 = arith.constant 160 : i32
    %dma_wait3A_519 = tpu.memref_slice %arg5[%dma_wait3A_518] : memref<256xi32, #tpu.memory_space<vmem>> -> memref<32xi32, #tpu.memory_space<vmem>>
    %dma_wait3A_520 = arith.constant 0 : i32
    %dma_wait3A_521 = arith.constant 0 : i32
    %dma_wait3A_522 = arith.constant 0 : i32
    %dma_wait3A_523 = tpu.memref_slice %arg3[%dma_wait3A_520, %dma_wait3A_521, %dma_wait3A_522] : memref<8192x1x1024xf32, #tpu.memory_space<hbm>> -> memref<8192x1x1024xf32, #tpu.memory_space<hbm>>
    tpu.wait_indirect_dma semaphore(%arg11 : memref<!tpu.dma_semaphore, #tpu.memory_space<semaphore_mem>>) src(%dma_wait3A_523 : memref<8192x1x1024xf32, #tpu.memory_space<hbm>>) dst(%arg8 : memref<32x1x1024xf32, #tpu.memory_space<vmem>>)
    %add3A_524 = arith.constant 160 : i32
    %add3A_525 = arith.addi %mul3A_2, %add3A_524 : i32
    %dma_start3A_526 = arith.constant 0 : i32
    %dma_start3A_527 = arith.constant 0 : i32
    %dma_start3A_528 = tpu.memref_slice %arg4[%add3A_525, %dma_start3A_526, %dma_start3A_527] : memref<8192x4x1024xf32, #tpu.memory_space<hbm>> -> memref<32x1x1024xf32, #tpu.memory_space<hbm>>
    %dma_start3A_529 = arith.constant 0 : i32
    %dma_start3A_530 = arith.constant 0 : i32
    %dma_start3A_531 = tpu.memref_slice %arg4[%add3A_525, %dma_start3A_529, %dma_start3A_530] : memref<8192x4x1024xf32, #tpu.memory_space<hbm>> -> memref<32x1x1024xf32, #tpu.memory_space<hbm>>
    tpu.enqueue_dma source(%arg8 : memref<32x1x1024xf32, #tpu.memory_space<vmem>>) target(%dma_start3A_531 : memref<32x1x1024xf32, #tpu.memory_space<hbm>>) target_semaphore(%arg14 : memref<!tpu.dma_semaphore, #tpu.memory_space<semaphore_mem>>)
    %add3A_532 = arith.constant 160 : i32
    %add3A_533 = arith.addi %mul3A_2, %add3A_532 : i32
    %dma_start3A_534 = arith.constant 1 : i32
    %dma_start3A_535 = arith.constant 0 : i32
    %dma_start3A_536 = tpu.memref_slice %arg4[%add3A_533, %dma_start3A_534, %dma_start3A_535] : memref<8192x4x1024xf32, #tpu.memory_space<hbm>> -> memref<32x1x1024xf32, #tpu.memory_space<hbm>>
    %dma_start3A_537 = arith.constant 1 : i32
    %dma_start3A_538 = arith.constant 0 : i32
    %dma_start3A_539 = tpu.memref_slice %arg4[%add3A_533, %dma_start3A_537, %dma_start3A_538] : memref<8192x4x1024xf32, #tpu.memory_space<hbm>> -> memref<32x1x1024xf32, #tpu.memory_space<hbm>>
    tpu.enqueue_dma source(%arg8 : memref<32x1x1024xf32, #tpu.memory_space<vmem>>) target(%dma_start3A_539 : memref<32x1x1024xf32, #tpu.memory_space<hbm>>) target_semaphore(%arg14 : memref<!tpu.dma_semaphore, #tpu.memory_space<semaphore_mem>>)
    %add3A_540 = arith.constant 160 : i32
    %add3A_541 = arith.addi %mul3A_2, %add3A_540 : i32
    %dma_start3A_542 = arith.constant 2 : i32
    %dma_start3A_543 = arith.constant 0 : i32
    %dma_start3A_544 = tpu.memref_slice %arg4[%add3A_541, %dma_start3A_542, %dma_start3A_543] : memref<8192x4x1024xf32, #tpu.memory_space<hbm>> -> memref<32x1x1024xf32, #tpu.memory_space<hbm>>
    %dma_start3A_545 = arith.constant 2 : i32
    %dma_start3A_546 = arith.constant 0 : i32
    %dma_start3A_547 = tpu.memref_slice %arg4[%add3A_541, %dma_start3A_545, %dma_start3A_546] : memref<8192x4x1024xf32, #tpu.memory_space<hbm>> -> memref<32x1x1024xf32, #tpu.memory_space<hbm>>
    tpu.enqueue_dma source(%arg8 : memref<32x1x1024xf32, #tpu.memory_space<vmem>>) target(%dma_start3A_547 : memref<32x1x1024xf32, #tpu.memory_space<hbm>>) target_semaphore(%arg14 : memref<!tpu.dma_semaphore, #tpu.memory_space<semaphore_mem>>)
    %add3A_548 = arith.constant 160 : i32
    %add3A_549 = arith.addi %mul3A_2, %add3A_548 : i32
    %dma_start3A_550 = arith.constant 3 : i32
    %dma_start3A_551 = arith.constant 0 : i32
    %dma_start3A_552 = tpu.memref_slice %arg4[%add3A_549, %dma_start3A_550, %dma_start3A_551] : memref<8192x4x1024xf32, #tpu.memory_space<hbm>> -> memref<32x1x1024xf32, #tpu.memory_space<hbm>>
    %dma_start3A_553 = arith.constant 3 : i32
    %dma_start3A_554 = arith.constant 0 : i32
    %dma_start3A_555 = tpu.memref_slice %arg4[%add3A_549, %dma_start3A_553, %dma_start3A_554] : memref<8192x4x1024xf32, #tpu.memory_space<hbm>> -> memref<32x1x1024xf32, #tpu.memory_space<hbm>>
    tpu.enqueue_dma source(%arg8 : memref<32x1x1024xf32, #tpu.memory_space<vmem>>) target(%dma_start3A_555 : memref<32x1x1024xf32, #tpu.memory_space<hbm>>) target_semaphore(%arg14 : memref<!tpu.dma_semaphore, #tpu.memory_space<semaphore_mem>>)
    %dma_wait3A_556 = arith.constant 0 : i32
    %dma_wait3A_557 = arith.constant 0 : i32
    %dma_wait3A_558 = tpu.memref_slice %arg4[%add3A_525, %dma_wait3A_556, %dma_wait3A_557] : memref<8192x4x1024xf32, #tpu.memory_space<hbm>> -> memref<32x1x1024xf32, #tpu.memory_space<hbm>>
    %dma_wait3A_559 = arith.constant 0 : i32
    %dma_wait3A_560 = arith.constant 0 : i32
    %dma_wait3A_561 = tpu.memref_slice %arg4[%add3A_525, %dma_wait3A_559, %dma_wait3A_560] : memref<8192x4x1024xf32, #tpu.memory_space<hbm>> -> memref<32x1x1024xf32, #tpu.memory_space<hbm>>
    tpu.wait_dma2 semaphore(%arg14 : memref<!tpu.dma_semaphore, #tpu.memory_space<semaphore_mem>>) src(%arg8 : memref<32x1x1024xf32, #tpu.memory_space<vmem>>) dst(%dma_wait3A_561 : memref<32x1x1024xf32, #tpu.memory_space<hbm>>)
    %dma_wait3A_562 = arith.constant 1 : i32
    %dma_wait3A_563 = arith.constant 0 : i32
    %dma_wait3A_564 = tpu.memref_slice %arg4[%add3A_533, %dma_wait3A_562, %dma_wait3A_563] : memref<8192x4x1024xf32, #tpu.memory_space<hbm>> -> memref<32x1x1024xf32, #tpu.memory_space<hbm>>
    %dma_wait3A_565 = arith.constant 1 : i32
    %dma_wait3A_566 = arith.constant 0 : i32
    %dma_wait3A_567 = tpu.memref_slice %arg4[%add3A_533, %dma_wait3A_565, %dma_wait3A_566] : memref<8192x4x1024xf32, #tpu.memory_space<hbm>> -> memref<32x1x1024xf32, #tpu.memory_space<hbm>>
    tpu.wait_dma2 semaphore(%arg14 : memref<!tpu.dma_semaphore, #tpu.memory_space<semaphore_mem>>) src(%arg8 : memref<32x1x1024xf32, #tpu.memory_space<vmem>>) dst(%dma_wait3A_567 : memref<32x1x1024xf32, #tpu.memory_space<hbm>>)
    %dma_wait3A_568 = arith.constant 2 : i32
    %dma_wait3A_569 = arith.constant 0 : i32
    %dma_wait3A_570 = tpu.memref_slice %arg4[%add3A_541, %dma_wait3A_568, %dma_wait3A_569] : memref<8192x4x1024xf32, #tpu.memory_space<hbm>> -> memref<32x1x1024xf32, #tpu.memory_space<hbm>>
    %dma_wait3A_571 = arith.constant 2 : i32
    %dma_wait3A_572 = arith.constant 0 : i32
    %dma_wait3A_573 = tpu.memref_slice %arg4[%add3A_541, %dma_wait3A_571, %dma_wait3A_572] : memref<8192x4x1024xf32, #tpu.memory_space<hbm>> -> memref<32x1x1024xf32, #tpu.memory_space<hbm>>
    tpu.wait_dma2 semaphore(%arg14 : memref<!tpu.dma_semaphore, #tpu.memory_space<semaphore_mem>>) src(%arg8 : memref<32x1x1024xf32, #tpu.memory_space<vmem>>) dst(%dma_wait3A_573 : memref<32x1x1024xf32, #tpu.memory_space<hbm>>)
    %dma_wait3A_574 = arith.constant 3 : i32
    %dma_wait3A_575 = arith.constant 0 : i32
    %dma_wait3A_576 = tpu.memref_slice %arg4[%add3A_549, %dma_wait3A_574, %dma_wait3A_575] : memref<8192x4x1024xf32, #tpu.memory_space<hbm>> -> memref<32x1x1024xf32, #tpu.memory_space<hbm>>
    %dma_wait3A_577 = arith.constant 3 : i32
    %dma_wait3A_578 = arith.constant 0 : i32
    %dma_wait3A_579 = tpu.memref_slice %arg4[%add3A_549, %dma_wait3A_577, %dma_wait3A_578] : memref<8192x4x1024xf32, #tpu.memory_space<hbm>> -> memref<32x1x1024xf32, #tpu.memory_space<hbm>>
    tpu.wait_dma2 semaphore(%arg14 : memref<!tpu.dma_semaphore, #tpu.memory_space<semaphore_mem>>) src(%arg8 : memref<32x1x1024xf32, #tpu.memory_space<vmem>>) dst(%dma_wait3A_579 : memref<32x1x1024xf32, #tpu.memory_space<hbm>>)
    %dma_wait3A_580 = arith.constant 192 : i32
    %dma_wait3A_581 = tpu.memref_slice %arg5[%dma_wait3A_580] : memref<256xi32, #tpu.memory_space<vmem>> -> memref<32xi32, #tpu.memory_space<vmem>>
    %dma_wait3A_582 = arith.constant 0 : i32
    %dma_wait3A_583 = arith.constant 0 : i32
    %dma_wait3A_584 = arith.constant 0 : i32
    %dma_wait3A_585 = tpu.memref_slice %arg3[%dma_wait3A_582, %dma_wait3A_583, %dma_wait3A_584] : memref<8192x1x1024xf32, #tpu.memory_space<hbm>> -> memref<8192x1x1024xf32, #tpu.memory_space<hbm>>
    tpu.wait_indirect_dma semaphore(%arg9 : memref<!tpu.dma_semaphore, #tpu.memory_space<semaphore_mem>>) src(%dma_wait3A_585 : memref<8192x1x1024xf32, #tpu.memory_space<hbm>>) dst(%arg6 : memref<32x1x1024xf32, #tpu.memory_space<vmem>>)
    %add3A_586 = arith.constant 192 : i32
    %add3A_587 = arith.addi %mul3A_2, %add3A_586 : i32
    %dma_start3A_588 = arith.constant 0 : i32
    %dma_start3A_589 = arith.constant 0 : i32
    %dma_start3A_590 = tpu.memref_slice %arg4[%add3A_587, %dma_start3A_588, %dma_start3A_589] : memref<8192x4x1024xf32, #tpu.memory_space<hbm>> -> memref<32x1x1024xf32, #tpu.memory_space<hbm>>
    %dma_start3A_591 = arith.constant 0 : i32
    %dma_start3A_592 = arith.constant 0 : i32
    %dma_start3A_593 = tpu.memref_slice %arg4[%add3A_587, %dma_start3A_591, %dma_start3A_592] : memref<8192x4x1024xf32, #tpu.memory_space<hbm>> -> memref<32x1x1024xf32, #tpu.memory_space<hbm>>
    tpu.enqueue_dma source(%arg6 : memref<32x1x1024xf32, #tpu.memory_space<vmem>>) target(%dma_start3A_593 : memref<32x1x1024xf32, #tpu.memory_space<hbm>>) target_semaphore(%arg12 : memref<!tpu.dma_semaphore, #tpu.memory_space<semaphore_mem>>)
    %add3A_594 = arith.constant 192 : i32
    %add3A_595 = arith.addi %mul3A_2, %add3A_594 : i32
    %dma_start3A_596 = arith.constant 1 : i32
    %dma_start3A_597 = arith.constant 0 : i32
    %dma_start3A_598 = tpu.memref_slice %arg4[%add3A_595, %dma_start3A_596, %dma_start3A_597] : memref<8192x4x1024xf32, #tpu.memory_space<hbm>> -> memref<32x1x1024xf32, #tpu.memory_space<hbm>>
    %dma_start3A_599 = arith.constant 1 : i32
    %dma_start3A_600 = arith.constant 0 : i32
    %dma_start3A_601 = tpu.memref_slice %arg4[%add3A_595, %dma_start3A_599, %dma_start3A_600] : memref<8192x4x1024xf32, #tpu.memory_space<hbm>> -> memref<32x1x1024xf32, #tpu.memory_space<hbm>>
    tpu.enqueue_dma source(%arg6 : memref<32x1x1024xf32, #tpu.memory_space<vmem>>) target(%dma_start3A_601 : memref<32x1x1024xf32, #tpu.memory_space<hbm>>) target_semaphore(%arg12 : memref<!tpu.dma_semaphore, #tpu.memory_space<semaphore_mem>>)
    %add3A_602 = arith.constant 192 : i32
    %add3A_603 = arith.addi %mul3A_2, %add3A_602 : i32
    %dma_start3A_604 = arith.constant 2 : i32
    %dma_start3A_605 = arith.constant 0 : i32
    %dma_start3A_606 = tpu.memref_slice %arg4[%add3A_603, %dma_start3A_604, %dma_start3A_605] : memref<8192x4x1024xf32, #tpu.memory_space<hbm>> -> memref<32x1x1024xf32, #tpu.memory_space<hbm>>
    %dma_start3A_607 = arith.constant 2 : i32
    %dma_start3A_608 = arith.constant 0 : i32
    %dma_start3A_609 = tpu.memref_slice %arg4[%add3A_603, %dma_start3A_607, %dma_start3A_608] : memref<8192x4x1024xf32, #tpu.memory_space<hbm>> -> memref<32x1x1024xf32, #tpu.memory_space<hbm>>
    tpu.enqueue_dma source(%arg6 : memref<32x1x1024xf32, #tpu.memory_space<vmem>>) target(%dma_start3A_609 : memref<32x1x1024xf32, #tpu.memory_space<hbm>>) target_semaphore(%arg12 : memref<!tpu.dma_semaphore, #tpu.memory_space<semaphore_mem>>)
    %add3A_610 = arith.constant 192 : i32
    %add3A_611 = arith.addi %mul3A_2, %add3A_610 : i32
    %dma_start3A_612 = arith.constant 3 : i32
    %dma_start3A_613 = arith.constant 0 : i32
    %dma_start3A_614 = tpu.memref_slice %arg4[%add3A_611, %dma_start3A_612, %dma_start3A_613] : memref<8192x4x1024xf32, #tpu.memory_space<hbm>> -> memref<32x1x1024xf32, #tpu.memory_space<hbm>>
    %dma_start3A_615 = arith.constant 3 : i32
    %dma_start3A_616 = arith.constant 0 : i32
    %dma_start3A_617 = tpu.memref_slice %arg4[%add3A_611, %dma_start3A_615, %dma_start3A_616] : memref<8192x4x1024xf32, #tpu.memory_space<hbm>> -> memref<32x1x1024xf32, #tpu.memory_space<hbm>>
    tpu.enqueue_dma source(%arg6 : memref<32x1x1024xf32, #tpu.memory_space<vmem>>) target(%dma_start3A_617 : memref<32x1x1024xf32, #tpu.memory_space<hbm>>) target_semaphore(%arg12 : memref<!tpu.dma_semaphore, #tpu.memory_space<semaphore_mem>>)
    %dma_wait3A_618 = arith.constant 0 : i32
    %dma_wait3A_619 = arith.constant 0 : i32
    %dma_wait3A_620 = tpu.memref_slice %arg4[%add3A_587, %dma_wait3A_618, %dma_wait3A_619] : memref<8192x4x1024xf32, #tpu.memory_space<hbm>> -> memref<32x1x1024xf32, #tpu.memory_space<hbm>>
    %dma_wait3A_621 = arith.constant 0 : i32
    %dma_wait3A_622 = arith.constant 0 : i32
    %dma_wait3A_623 = tpu.memref_slice %arg4[%add3A_587, %dma_wait3A_621, %dma_wait3A_622] : memref<8192x4x1024xf32, #tpu.memory_space<hbm>> -> memref<32x1x1024xf32, #tpu.memory_space<hbm>>
    tpu.wait_dma2 semaphore(%arg12 : memref<!tpu.dma_semaphore, #tpu.memory_space<semaphore_mem>>) src(%arg6 : memref<32x1x1024xf32, #tpu.memory_space<vmem>>) dst(%dma_wait3A_623 : memref<32x1x1024xf32, #tpu.memory_space<hbm>>)
    %dma_wait3A_624 = arith.constant 1 : i32
    %dma_wait3A_625 = arith.constant 0 : i32
    %dma_wait3A_626 = tpu.memref_slice %arg4[%add3A_595, %dma_wait3A_624, %dma_wait3A_625] : memref<8192x4x1024xf32, #tpu.memory_space<hbm>> -> memref<32x1x1024xf32, #tpu.memory_space<hbm>>
    %dma_wait3A_627 = arith.constant 1 : i32
    %dma_wait3A_628 = arith.constant 0 : i32
    %dma_wait3A_629 = tpu.memref_slice %arg4[%add3A_595, %dma_wait3A_627, %dma_wait3A_628] : memref<8192x4x1024xf32, #tpu.memory_space<hbm>> -> memref<32x1x1024xf32, #tpu.memory_space<hbm>>
    tpu.wait_dma2 semaphore(%arg12 : memref<!tpu.dma_semaphore, #tpu.memory_space<semaphore_mem>>) src(%arg6 : memref<32x1x1024xf32, #tpu.memory_space<vmem>>) dst(%dma_wait3A_629 : memref<32x1x1024xf32, #tpu.memory_space<hbm>>)
    %dma_wait3A_630 = arith.constant 2 : i32
    %dma_wait3A_631 = arith.constant 0 : i32
    %dma_wait3A_632 = tpu.memref_slice %arg4[%add3A_603, %dma_wait3A_630, %dma_wait3A_631] : memref<8192x4x1024xf32, #tpu.memory_space<hbm>> -> memref<32x1x1024xf32, #tpu.memory_space<hbm>>
    %dma_wait3A_633 = arith.constant 2 : i32
    %dma_wait3A_634 = arith.constant 0 : i32
    %dma_wait3A_635 = tpu.memref_slice %arg4[%add3A_603, %dma_wait3A_633, %dma_wait3A_634] : memref<8192x4x1024xf32, #tpu.memory_space<hbm>> -> memref<32x1x1024xf32, #tpu.memory_space<hbm>>
    tpu.wait_dma2 semaphore(%arg12 : memref<!tpu.dma_semaphore, #tpu.memory_space<semaphore_mem>>) src(%arg6 : memref<32x1x1024xf32, #tpu.memory_space<vmem>>) dst(%dma_wait3A_635 : memref<32x1x1024xf32, #tpu.memory_space<hbm>>)
    %dma_wait3A_636 = arith.constant 3 : i32
    %dma_wait3A_637 = arith.constant 0 : i32
    %dma_wait3A_638 = tpu.memref_slice %arg4[%add3A_611, %dma_wait3A_636, %dma_wait3A_637] : memref<8192x4x1024xf32, #tpu.memory_space<hbm>> -> memref<32x1x1024xf32, #tpu.memory_space<hbm>>
    %dma_wait3A_639 = arith.constant 3 : i32
    %dma_wait3A_640 = arith.constant 0 : i32
    %dma_wait3A_641 = tpu.memref_slice %arg4[%add3A_611, %dma_wait3A_639, %dma_wait3A_640] : memref<8192x4x1024xf32, #tpu.memory_space<hbm>> -> memref<32x1x1024xf32, #tpu.memory_space<hbm>>
    tpu.wait_dma2 semaphore(%arg12 : memref<!tpu.dma_semaphore, #tpu.memory_space<semaphore_mem>>) src(%arg6 : memref<32x1x1024xf32, #tpu.memory_space<vmem>>) dst(%dma_wait3A_641 : memref<32x1x1024xf32, #tpu.memory_space<hbm>>)
    %dma_wait3A_642 = arith.constant 224 : i32
    %dma_wait3A_643 = tpu.memref_slice %arg5[%dma_wait3A_642] : memref<256xi32, #tpu.memory_space<vmem>> -> memref<32xi32, #tpu.memory_space<vmem>>
    %dma_wait3A_644 = arith.constant 0 : i32
    %dma_wait3A_645 = arith.constant 0 : i32
    %dma_wait3A_646 = arith.constant 0 : i32
    %dma_wait3A_647 = tpu.memref_slice %arg3[%dma_wait3A_644, %dma_wait3A_645, %dma_wait3A_646] : memref<8192x1x1024xf32, #tpu.memory_space<hbm>> -> memref<8192x1x1024xf32, #tpu.memory_space<hbm>>
    tpu.wait_indirect_dma semaphore(%arg10 : memref<!tpu.dma_semaphore, #tpu.memory_space<semaphore_mem>>) src(%dma_wait3A_647 : memref<8192x1x1024xf32, #tpu.memory_space<hbm>>) dst(%arg7 : memref<32x1x1024xf32, #tpu.memory_space<vmem>>)
    %add3A_648 = arith.constant 224 : i32
    %add3A_649 = arith.addi %mul3A_2, %add3A_648 : i32
    %dma_start3A_650 = arith.constant 0 : i32
    %dma_start3A_651 = arith.constant 0 : i32
    %dma_start3A_652 = tpu.memref_slice %arg4[%add3A_649, %dma_start3A_650, %dma_start3A_651] : memref<8192x4x1024xf32, #tpu.memory_space<hbm>> -> memref<32x1x1024xf32, #tpu.memory_space<hbm>>
    %dma_start3A_653 = arith.constant 0 : i32
    %dma_start3A_654 = arith.constant 0 : i32
    %dma_start3A_655 = tpu.memref_slice %arg4[%add3A_649, %dma_start3A_653, %dma_start3A_654] : memref<8192x4x1024xf32, #tpu.memory_space<hbm>> -> memref<32x1x1024xf32, #tpu.memory_space<hbm>>
    tpu.enqueue_dma source(%arg7 : memref<32x1x1024xf32, #tpu.memory_space<vmem>>) target(%dma_start3A_655 : memref<32x1x1024xf32, #tpu.memory_space<hbm>>) target_semaphore(%arg13 : memref<!tpu.dma_semaphore, #tpu.memory_space<semaphore_mem>>)
    %add3A_656 = arith.constant 224 : i32
    %add3A_657 = arith.addi %mul3A_2, %add3A_656 : i32
    %dma_start3A_658 = arith.constant 1 : i32
    %dma_start3A_659 = arith.constant 0 : i32
    %dma_start3A_660 = tpu.memref_slice %arg4[%add3A_657, %dma_start3A_658, %dma_start3A_659] : memref<8192x4x1024xf32, #tpu.memory_space<hbm>> -> memref<32x1x1024xf32, #tpu.memory_space<hbm>>
    %dma_start3A_661 = arith.constant 1 : i32
    %dma_start3A_662 = arith.constant 0 : i32
    %dma_start3A_663 = tpu.memref_slice %arg4[%add3A_657, %dma_start3A_661, %dma_start3A_662] : memref<8192x4x1024xf32, #tpu.memory_space<hbm>> -> memref<32x1x1024xf32, #tpu.memory_space<hbm>>
    tpu.enqueue_dma source(%arg7 : memref<32x1x1024xf32, #tpu.memory_space<vmem>>) target(%dma_start3A_663 : memref<32x1x1024xf32, #tpu.memory_space<hbm>>) target_semaphore(%arg13 : memref<!tpu.dma_semaphore, #tpu.memory_space<semaphore_mem>>)
    %add3A_664 = arith.constant 224 : i32
    %add3A_665 = arith.addi %mul3A_2, %add3A_664 : i32
    %dma_start3A_666 = arith.constant 2 : i32
    %dma_start3A_667 = arith.constant 0 : i32
    %dma_start3A_668 = tpu.memref_slice %arg4[%add3A_665, %dma_start3A_666, %dma_start3A_667] : memref<8192x4x1024xf32, #tpu.memory_space<hbm>> -> memref<32x1x1024xf32, #tpu.memory_space<hbm>>
    %dma_start3A_669 = arith.constant 2 : i32
    %dma_start3A_670 = arith.constant 0 : i32
    %dma_start3A_671 = tpu.memref_slice %arg4[%add3A_665, %dma_start3A_669, %dma_start3A_670] : memref<8192x4x1024xf32, #tpu.memory_space<hbm>> -> memref<32x1x1024xf32, #tpu.memory_space<hbm>>
    tpu.enqueue_dma source(%arg7 : memref<32x1x1024xf32, #tpu.memory_space<vmem>>) target(%dma_start3A_671 : memref<32x1x1024xf32, #tpu.memory_space<hbm>>) target_semaphore(%arg13 : memref<!tpu.dma_semaphore, #tpu.memory_space<semaphore_mem>>)
    %add3A_672 = arith.constant 224 : i32
    %add3A_673 = arith.addi %mul3A_2, %add3A_672 : i32
    %dma_start3A_674 = arith.constant 3 : i32
    %dma_start3A_675 = arith.constant 0 : i32
    %dma_start3A_676 = tpu.memref_slice %arg4[%add3A_673, %dma_start3A_674, %dma_start3A_675] : memref<8192x4x1024xf32, #tpu.memory_space<hbm>> -> memref<32x1x1024xf32, #tpu.memory_space<hbm>>
    %dma_start3A_677 = arith.constant 3 : i32
    %dma_start3A_678 = arith.constant 0 : i32
    %dma_start3A_679 = tpu.memref_slice %arg4[%add3A_673, %dma_start3A_677, %dma_start3A_678] : memref<8192x4x1024xf32, #tpu.memory_space<hbm>> -> memref<32x1x1024xf32, #tpu.memory_space<hbm>>
    tpu.enqueue_dma source(%arg7 : memref<32x1x1024xf32, #tpu.memory_space<vmem>>) target(%dma_start3A_679 : memref<32x1x1024xf32, #tpu.memory_space<hbm>>) target_semaphore(%arg13 : memref<!tpu.dma_semaphore, #tpu.memory_space<semaphore_mem>>)
    %dma_wait3A_680 = arith.constant 0 : i32
    %dma_wait3A_681 = arith.constant 0 : i32
    %dma_wait3A_682 = tpu.memref_slice %arg4[%add3A_649, %dma_wait3A_680, %dma_wait3A_681] : memref<8192x4x1024xf32, #tpu.memory_space<hbm>> -> memref<32x1x1024xf32, #tpu.memory_space<hbm>>
    %dma_wait3A_683 = arith.constant 0 : i32
    %dma_wait3A_684 = arith.constant 0 : i32
    %dma_wait3A_685 = tpu.memref_slice %arg4[%add3A_649, %dma_wait3A_683, %dma_wait3A_684] : memref<8192x4x1024xf32, #tpu.memory_space<hbm>> -> memref<32x1x1024xf32, #tpu.memory_space<hbm>>
    tpu.wait_dma2 semaphore(%arg13 : memref<!tpu.dma_semaphore, #tpu.memory_space<semaphore_mem>>) src(%arg7 : memref<32x1x1024xf32, #tpu.memory_space<vmem>>) dst(%dma_wait3A_685 : memref<32x1x1024xf32, #tpu.memory_space<hbm>>)
    %dma_wait3A_686 = arith.constant 1 : i32
    %dma_wait3A_687 = arith.constant 0 : i32
    %dma_wait3A_688 = tpu.memref_slice %arg4[%add3A_657, %dma_wait3A_686, %dma_wait3A_687] : memref<8192x4x1024xf32, #tpu.memory_space<hbm>> -> memref<32x1x1024xf32, #tpu.memory_space<hbm>>
    %dma_wait3A_689 = arith.constant 1 : i32
    %dma_wait3A_690 = arith.constant 0 : i32
    %dma_wait3A_691 = tpu.memref_slice %arg4[%add3A_657, %dma_wait3A_689, %dma_wait3A_690] : memref<8192x4x1024xf32, #tpu.memory_space<hbm>> -> memref<32x1x1024xf32, #tpu.memory_space<hbm>>
    tpu.wait_dma2 semaphore(%arg13 : memref<!tpu.dma_semaphore, #tpu.memory_space<semaphore_mem>>) src(%arg7 : memref<32x1x1024xf32, #tpu.memory_space<vmem>>) dst(%dma_wait3A_691 : memref<32x1x1024xf32, #tpu.memory_space<hbm>>)
    %dma_wait3A_692 = arith.constant 2 : i32
    %dma_wait3A_693 = arith.constant 0 : i32
    %dma_wait3A_694 = tpu.memref_slice %arg4[%add3A_665, %dma_wait3A_692, %dma_wait3A_693] : memref<8192x4x1024xf32, #tpu.memory_space<hbm>> -> memref<32x1x1024xf32, #tpu.memory_space<hbm>>
    %dma_wait3A_695 = arith.constant 2 : i32
    %dma_wait3A_696 = arith.constant 0 : i32
    %dma_wait3A_697 = tpu.memref_slice %arg4[%add3A_665, %dma_wait3A_695, %dma_wait3A_696] : memref<8192x4x1024xf32, #tpu.memory_space<hbm>> -> memref<32x1x1024xf32, #tpu.memory_space<hbm>>
    tpu.wait_dma2 semaphore(%arg13 : memref<!tpu.dma_semaphore, #tpu.memory_space<semaphore_mem>>) src(%arg7 : memref<32x1x1024xf32, #tpu.memory_space<vmem>>) dst(%dma_wait3A_697 : memref<32x1x1024xf32, #tpu.memory_space<hbm>>)
    %dma_wait3A_698 = arith.constant 3 : i32
    %dma_wait3A_699 = arith.constant 0 : i32
    %dma_wait3A_700 = tpu.memref_slice %arg4[%add3A_673, %dma_wait3A_698, %dma_wait3A_699] : memref<8192x4x1024xf32, #tpu.memory_space<hbm>> -> memref<32x1x1024xf32, #tpu.memory_space<hbm>>
    %dma_wait3A_701 = arith.constant 3 : i32
    %dma_wait3A_702 = arith.constant 0 : i32
    %dma_wait3A_703 = tpu.memref_slice %arg4[%add3A_673, %dma_wait3A_701, %dma_wait3A_702] : memref<8192x4x1024xf32, #tpu.memory_space<hbm>> -> memref<32x1x1024xf32, #tpu.memory_space<hbm>>
    tpu.wait_dma2 semaphore(%arg13 : memref<!tpu.dma_semaphore, #tpu.memory_space<semaphore_mem>>) src(%arg7 : memref<32x1x1024xf32, #tpu.memory_space<vmem>>) dst(%dma_wait3A_703 : memref<32x1x1024xf32, #tpu.memory_space<hbm>>)
    return
  }
}

</mosaic_0001>

<sc_bundles>
// kernel: _sc_lookup.3.cloned.1.call-start
scs
__scs_entry_jumppad:
0x0: {  	(pc) =	sbr.rel $0x88, $3  }
0x1: {  	(tag) =	ssettag $0x0;
	lr =	simm.s32 $0x1  }
0x2: {  	[smem:$0x3F9F] =	sst lr;
	_ =	strace $0xD0000000  }
0x3: {  	_ = 	snop  }
0x4: {  	_ = 	snop  }
0x5: {  	_ = 	snop  }
0x6: {  	_ = 	snop  }
0x7: {  	_ = 	snop  }
__scs_overlays_trampoline_lowered:
0x8: {  	[smem:$0x3FAE] =	sst s0  }
0x9: {  	[smem:$0x3FAF] =	sst s1  }
0xa: {  	[smem:$0x3FB0] =	sst s2  }
0xb: {  	[smem:$0x3FB1] =	sst s3  }
0xc: {  	[smem:$0x3FB2] =	sst s4  }
0xd: {  	[smem:$0x3FB3] =	sst s5  }
0xe: {  	[smem:$0x3FB4] =	sst s6  }
0xf: {  	[smem:$0x3FB5] =	sst s7  }
0x10: {  	[smem:$0x3FB6] =	sst s8  }
0x11: {  	[smem:$0x3FB7] =	sst s9;
	s0 =	simm.s32 @!p0 $0x0  }
0x12: {  	s1 =	sld [smem:$0x3F9D];
	s0 =	simm.s32 @p0 $0x1  }
0x13: {  	[smem:$0x3FB8] =	sst s0;
	s0 =	simm.s32 @!p1 $0x0  }
0x14: {  	s2 =	sld [smem:$0x3F9C];
	s0 =	simm.s32 @p1 $0x1  }
0x15: {  	[smem:$0x3FB9] =	sst s0;
	s0 =	simm.s32 @!p2 $0x0  }
0x16: {  	s3 =	sld [smem:$0x3FDB];
	s0 =	simm.s32 @p2 $0x1  }
0x17: {  	s4 =	simm.s32 $0x1BF5;
	[smem:$0x3FBB] =	sst s0  }
0x18: {  	s0 =	sld [smem:$0x3F9E];
	_ =	swait.ge [sflag:s4], $0x0  }
0x19: {  	s7 =	sld [smem:$0x3F9F]  }
0x1a: {  	s8 =	sadd.s32 $0xFFFFE003, lr  }
0x1b: {  	s9 =	sadd.s32 $0xFFFFFEF7, lr;
	s5 =	simm.s32 $0xFFFFFFFF;
	p2 =	slt.u32 s8, $0xFFFFF086  }
0x1c: {  	p1 =	slt.u32 s9, $0xF7A;
	s5 =	simm.s32 @!p2 $0x0  }
0x1d: {  	s5 =	simm.s32 @p1 $0x1;
	p0 =	seq.s32 s7, s2  }
0x1e: {  	s7 =	smul.u32 @!p0 $0xF7A, s2;
	p2 =	seq.s32 @!p0 s5, $0x0  }
0x1f: {  	s9 =	smul.u32 $0xF7A, s1;
	s8 =	simm.s32 @!p0 $0x1BF5;
	p2 =	por !p2, p0  }
0x20: {  	[sflag:s8] =	ssyncset.s32 @!p0 $0xFFFFF086;
	s6 =	sadd.s32 @!p0 s3, s7;
	s7 =	simm.s32 @!p0 $0x108  }
0x21: {  	s3 =	sadd.s32 s3, s9;
	s6 =	sadd.s32 @!p0 $0x88, s6;
	s7 =	simm.s32 @p2 $0x1082  }
0x22: {  	[simem:s7], [sflag:s8] =	dma.local @!p0 [hbm:s6], $0xF7A  }
0x23: {  	s9 =	sor.u32 $0xD0000000, s2;
	s6 =	simm.s32 $0x108;
	_ =	swait.ge @!p0 [sflag:s8], $0x0  }
0x24: {  	s3 =	sadd.s32 $0x88, s3;
	s6 =	simm.s32 @!p1 $0x1082;
	[sflag:s4] =	ssyncset.s32 $0xFFFFF086  }
0x25: {  	[simem:s6], [sflag:s4] =	dma.local [hbm:s3], $0xF7A  }
0x26: {  	[smem:$0x3F9F] =	sst s1;
	(tag) =	ssettag s2;
	_ =	strace s9  }
0x27: {  	s1 =	sld [smem:$0x3FAF]  }
0x28: {  	s2 =	sld [smem:$0x3FB0]  }
0x29: {  	s4 =	sld [smem:$0x3FB2]  }
0x2a: {  	p0 =	seq.s32 s5, $0x0;
	s5 =	sld [smem:$0x3FB3]  }
0x2b: {  	s6 =	sld [smem:$0x3FB4]  }
0x2c: {  	s7 =	sld [smem:$0x3FB5]  }
0x2d: {  	s3 =	simm.s32 $0x108;
	s8 =	sld [smem:$0x3FB6]  }
0x2e: {  	s3 =	simm.s32 @!p0 $0x1082;
	s9 =	sld [smem:$0x3FB7]  }
0x2f: {  	lr =	sadd.s32 s0, s3;
	s0 =	sld [smem:$0x3FAE]  }
0x30: {  	s3 =	sld [smem:$0x3FB1]  }
0x31: {  	[smem:$0x3FBA] =	sst s10  }
0x32: {  	s10 =	sld [smem:$0x3FB8];
	_ =	sdelay $0x3  }
0x33: {  	p0 =	seq.s32 s10, $0x1;
	s10 =	sld [smem:$0x3FBA];
	_ =	sdelay $0x3  }
0x34: {  	[smem:$0x3FBA] =	sst s10  }
0x35: {  	s10 =	sld [smem:$0x3FB9];
	_ =	sdelay $0x3  }
0x36: {  	p1 =	seq.s32 s10, $0x1;
	s10 =	sld [smem:$0x3FBA];
	_ =	sdelay $0x3  }
0x37: {  	[smem:$0x3FBA] =	sst s10  }
0x38: {  	s10 =	sld [smem:$0x3FBB]  }
0x39: {  	_ = 	snop;
	(pc) =	sbr.ind lr, $3  }
0x3a: {  	_ = 	snop  }
0x3b: {  	_ = 	snop  }
0x3c: {  	p2 =	seq.s32 s10, $0x1;
	s10 =	sld [smem:$0x3FBA]  }
0x3d: {  	_ =	shalt  }
0x3e: {  	_ =	shalt  }
0x3f: {  	_ =	shalt  }
0x40: {  	_ =	shalt  }
0x41: {  	_ =	shalt  }
0x42: {  	_ =	shalt  }
0x43: {  	_ =	shalt  }
0x44: {  	_ =	shalt  }
0x45: {  	_ =	shalt  }
0x46: {  	_ =	shalt  }
0x47: {  	_ =	shalt  }
0x48: {  	_ =	shalt  }
0x49: {  	_ =	shalt  }
0x4a: {  	_ =	shalt  }
0x4b: {  	_ =	shalt  }
0x4c: {  	_ =	shalt  }
0x4d: {  	_ =	shalt  }
0x4e: {  	_ =	shalt  }
0x4f: {  	_ =	shalt  }
0x50: {  	_ =	shalt  }
0x51: {  	_ =	shalt  }
0x52: {  	_ =	shalt  }
0x53: {  	_ =	shalt  }
0x54: {  	_ =	shalt  }
0x55: {  	_ =	shalt  }
0x56: {  	_ =	shalt  }
0x57: {  	_ =	shalt  }
0x58: {  	_ =	shalt  }
0x59: {  	_ =	shalt  }
0x5a: {  	_ =	shalt  }
0x5b: {  	_ =	shalt  }
0x5c: {  	_ =	shalt  }
0x5d: {  	_ =	shalt  }
0x5e: {  	_ =	shalt  }
0x5f: {  	_ =	shalt  }
0x60: {  	_ =	shalt  }
0x61: {  	_ =	shalt  }
0x62: {  	_ =	shalt  }
0x63: {  	_ =	shalt  }
0x64: {  	_ =	shalt  }
0x65: {  	_ =	shalt  }
0x66: {  	_ =	shalt  }
0x67: {  	_ =	shalt  }
0x68: {  	_ =	shalt  }
0x69: {  	_ =	shalt  }
0x6a: {  	_ =	shalt  }
0x6b: {  	_ =	shalt  }
0x6c: {  	_ =	shalt  }
0x6d: {  	_ =	shalt  }
0x6e: {  	_ =	shalt  }
0x6f: {  	_ =	shalt  }
0x70: {  	_ =	shalt  }
0x71: {  	_ =	shalt  }
0x72: {  	_ =	shalt  }
0x73: {  	_ =	shalt  }
0x74: {  	_ =	shalt  }
0x75: {  	_ =	shalt  }
0x76: {  	_ =	shalt  }
0x77: {  	_ =	shalt  }
0x78: {  	_ =	shalt  }
0x79: {  	_ =	shalt  }
0x7a: {  	_ =	shalt  }
0x7b: {  	_ =	shalt  }
0x7c: {  	_ =	shalt  }
0x7d: {  	_ =	shalt  }
0x7e: {  	_ =	shalt  }
0x7f: {  	_ =	shalt  }
0x80: {  	_ =	shalt  }
0x81: {  	_ =	shalt  }
0x82: {  	_ =	shalt  }
0x83: {  	_ =	shalt  }
0x84: {  	_ =	shalt  }
0x85: {  	_ =	shalt  }
0x86: {  	_ =	shalt  }
0x87: {  	_ =	shalt  }
.Lfunc_end0:
.L_simem_size_0:
called_computation_lowered:
.L_overlay_start_0:
0x88: {  	s2 =	sld [smem:$0x3FD9]  }
0x89: {  	s3 =	sld [smem:$0x3FFE];
	_ =	sdelay $0x1  }
0x8a: {  	s1 =	srdreg.scid  }
0x8b: {  	s0 =	sand.u32 $0x1, s1  }
0x8c: {  	s18 =	sshll.u32 s0, $0xA;
	s2 =	sadd.s32 s3, s2  }
0x8d: {  	s2 =	sadd.s32 s2, s18  }
0x8e: {  	[smem:$0x3FC6] =	sst s2  }
0x8f: {  	_ = 	snop  }
0x90: {  	s2 =	sld [smem:$0x3FC9]  }
0x91: {  	s19 =	sld [smem:$0x3FC8]  }
0x92: {  	s4 =	sld [smem:$0x3FD0];
	(tm) =	ssettm $0x1  }
0x93: {  	s5 =	sld [smem:$0x3FFB];
	_ =	sdelay $0x3  }
0x94: {  	_ =	strace s5  }
0x95: {  	s5 =	sld [smem:$0x3FFC];
	_ =	sdelay $0x3  }
0x96: {  	_ =	strace s5  }
0x97: {  	s5 =	sld [smem:$0x3FFD];
	_ =	sdelay $0x3  }
0x98: {  	_ =	strace s5  }
0x99: {  	_ =	strace $0x8FFFFFFF  }
0x9a: {  	s20 =	sld [smem:$0x3FDB];
	_ =	sdelay $0x1  }
0x9b: {  	s6 =	simm.s32 $_scs_section_size  }
0x9c: {  	s7 =	simm.s32 $_size__tile_overlayer_lowered;
	s8 =	simm.s32 $_tile_overlayer_lowered  }
0x9d: {  	s23 =	simm.s32 $0x1BFF;
	s22 =	sshll.u32 s8, $0x1;
	s5 =	sadd.s32 s6, s20  }
0x9e: {  	s9 =	simm.s32 $0x0;
	s21 =	sshll.u32 s7, $0x1;
	s7 =	sadd.s32 s22, s5  }
0x9f: {  	[timem:s9], [sflag:s23] =	dma.local [hbm:s7], s21  }
0xa0: {  	_ =	swait.ge [sflag:s23], s21  }
0xa1: {  	s6 =	ssub.s32 $0x0, s21;
	[sflag:s23] =	ssyncset.done $0x0  }
0xa2: {  	[sflag:s23] =	ssyncadd.s32 s6;
	_ =	sdelay $0x1  }
0xa3: {  	s24 =	simm.s32 $0x1B8B  }
0xa4: {  	_ =	swait.ge [sflag:s24], $0x1  }
0xa5: {  	[sflag:s24] =	ssyncset.done $0x0  }
0xa6: {  	s25 =	simm.s32 $0x1B8E;
	[sflag:s24] =	ssyncadd.s32 $0xFFFFFFFF  }
0xa7: {  	s26 =	simm.s32 $execute0_lowered;
	[smem:$0x3FD2] =	sst s25  }
0xa8: {  	s6 =	sshll.u32 s26, $0x1;
	_ =	strace $0x80000046;
	[dreg:$0x1] =	wrdreg $0xFFFFFFFF  }
0xa9: {  	s28 =	simm.s32 $_size_execute0_lowered;
	s5 =	sadd.s32 s5, s6;
	[dreg:$0x0] =	wrdreg $0x0  }
0xaa: {  	s6 =	sshll.u32 s28, $0x1;
	[dreg:$0x2] =	wrdreg s5  }
0xab: {  	[dreg:$0x3] =	wrdreg s6  }
0xac: {  	[dreg:$0x4] =	wrdreg $0xC0  }
0xad: {  	_ =	task [dreg:s9], $0x5FFFF  }
0xae: {  	[dreg:$0x1] =	wrdreg $0xFFFFFFFF  }
0xaf: {  	[dreg:$0x0] =	wrdreg $0x60  }
0xb0: {  	[dreg:$0x2] =	wrdreg s2  }
0xb1: {  	[dreg:$0x3] =	wrdreg s19  }
0xb2: {  	[dreg:$0x4] =	wrdreg s4  }
0xb3: {  	[dreg:$0x5] =	wrdreg $0x9  }
0xb4: {  	_ =	task.clear_ibuf [dreg:s9], $0x6FFFF;
	_ =	strace $0x90000046  }
0xb5: {  	s29 =	simm.s32 $0x9;
	_ =	strace $0x80000048  }
0xb6: {  	_ =	swait.ge [sflag:s29], $0x1  }
0xb7: {  	[sflag:s29] =	ssyncadd.s32 $0xFFFFFFFF  }
0xb8: {  	_ =	strace $0x90000048  }
0xb9: {  	_ =	sfence  }
0xba: {  	s30 =	sld [smem:$0x0];
	_ =	sdelay $0x2  }
0xbb: {  	s31 =	sshll.u32 s1, $0xD;
	s1 =	sshrl.u32 s1, $0x2  }
0xbc: {  	s3 =	sand.u32 $0x4000, s31;
	s1 =	sadd.s32 s1, s30  }
0xbd: {  	s0 =	sor.u32 s3, s0;
	s1 =	sshll.u32 s1, $0x11  }
0xbe: {  	s0 =	sor.u32 s1, s0  }
0xbf: {  	s0 =	sadd.s32 $0x8F2B, s0  }
0xc0: {  	[sflag:s0] =	ssyncadd.remote.s32 $0x1  }
0xc1: {  	_ =	sfence.sel $0xFFFF  }
0xc2: {  	[dreg:$0x0] =	wrdreg $0xFFFFFFFF;
	(pc) =	sbr.abs _section_cstart, $3  }
0xc3: {  	[dreg:$0x1] =	wrdreg $0xFFFFFFFF  }
0xc4: {  	_ =	task.clear_ibuf [dreg:s9], $0x2FFFF;
	_ =	strace $0x9FFFFFFF  }
0xc5: {  	(tm) =	ssettm $0x7FFFFFFF  }
tec
execute0_lowered:
.L_overlay_start_1:
0x0: {  	(tag) =	ssettag $0x1  }
0x1: {  	s4 =	rddreg [dreg:$0x0]  }
0x2: {  	s1 =	srdreg.scid;
	s0 =	stileid.u32  }
0x3: {  	s2 =	rddreg [dreg:$0x1];
	s1 =	sand.u32 $0x1, s1;
	s6 =	sshll.u32 s0, $0x1  }
0x4: {  	s5 =	rddreg [dreg:$0x2];
	s6 =	sor.u32 s1, s6  }
0x5: {  	s3 =	simm.s32 $0x0;
	s7 =	sshll.u32 s6, $0x5;
	s6 =	sshll.u32 s6, $0x11  }
0x6: {  	[smem:$0x7FF] =	sst s3;
	s7 =	sadd.s32 s4, s7;
	s4 =	sadd.s32 s5, s6  }
0x7: {  	_ =	strace $0x80000047;
	[dreg:$0x4] =	wrdreg s7;
	s5 =	sadd.s32 $0x10, s4  }
0x8: {  	s16 =	sadd.s32 $0x20, s4;
	[dreg:$0x5] =	wrdreg s5  }
0x9: {  	s17 =	sadd.s32 $0x30, s4;
	[dreg:$0x6] =	wrdreg s16  }
0xa: {  	s18 =	sadd.s32 $0x4000, s4;
	[dreg:$0x7] =	wrdreg s17  }
0xb: {  	s19 =	sadd.s32 $0x4010, s4;
	[dreg:$0x8] =	wrdreg s18  }
0xc: {  	s20 =	sadd.s32 $0x4020, s4;
	[dreg:$0x9] =	wrdreg s19  }
0xd: {  	s21 =	sadd.s32 $0x4030, s4;
	[dreg:$0xa] =	wrdreg s20  }
0xe: {  	s22 =	sadd.s32 $0x8000, s4;
	[dreg:$0xb] =	wrdreg s21  }
0xf: {  	s23 =	sadd.s32 $0x8010, s4;
	[dreg:$0xc] =	wrdreg s22  }
0x10: {  	s24 =	sadd.s32 $0x8020, s4;
	[dreg:$0xd] =	wrdreg s23  }
0x11: {  	s25 =	sadd.s32 $0x8030, s4;
	[dreg:$0xe] =	wrdreg s24  }
0x12: {  	s26 =	sadd.s32 $0xC000, s4;
	[dreg:$0xf] =	wrdreg s25  }
0x13: {  	s0 =	sadd.s32 $0xC010, s4;
	[dreg:$0x10] =	wrdreg s26  }
0x14: {  	s6 =	sadd.s32 $0xC020, s4;
	[dreg:$0x11] =	wrdreg s0  }
0x15: {  	s7 =	sadd.s32 $0xC030, s4;
	[dreg:$0x12] =	wrdreg s6  }
0x16: {  	s8 =	sadd.s32 $0x10000, s4;
	[dreg:$0x13] =	wrdreg s7  }
0x17: {  	s9 =	sadd.s32 $0x10010, s4;
	[dreg:$0x14] =	wrdreg s8  }
0x18: {  	s10 =	sadd.s32 $0x10020, s4;
	[dreg:$0x15] =	wrdreg s9  }
0x19: {  	s11 =	sadd.s32 $0x10030, s4;
	[dreg:$0x16] =	wrdreg s10  }
0x1a: {  	s12 =	sadd.s32 $0x14000, s4;
	[dreg:$0x17] =	wrdreg s11  }
0x1b: {  	s13 =	sadd.s32 $0x14010, s4;
	[dreg:$0x18] =	wrdreg s12  }
0x1c: {  	[dreg:$0x19] =	wrdreg s13  }
0x1d: {  	s14 =	sadd.s32 $0x14020, s4;
	s15 =	rddreg [dreg:$0x4]  }
0x1e: {  	[dreg:$0x1a] =	wrdreg s14;
	s16 =	sadd.s32 $0x14030, s4  }
0x1f: {  	s5 =	simm.s32 $0x7;
	[dreg:$0x1b] =	wrdreg s16  }
0x20: {  	[tilespmem:s3], [sflag:$0x7] =	stream.linear.gather [hbm4b:s15+s3], $0x100, $0x38;
	[tilespmem:$0x18100] =	vst v63  }
0x21: {  	_ =	swait.ge [sflag:s5], $0x100  }
0x22: {  	[sflag:s5] =	ssyncset.done $0x0  }
0x23: {  	[sflag:s5] =	ssyncadd.s32 $0xFFFFFF00  }
0x24: {  	v0 =	vld [tilespmem:$0xF0]  }
0x25: {  	v1 =	vld [tilespmem:$0xE0]  }
0x26: {  	v2 =	vld [tilespmem:$0xD0]  }
0x27: {  	v3 =	vld [tilespmem:$0xC0]  }
0x28: {  	v4 =	vld [tilespmem:$0xB0]  }
0x29: {  	v5 =	vld [tilespmem:$0xA0];
	vm0 =	vlt.s32 v0, $0x1FFF  }
0x2a: {  	v6 =	vld [tilespmem:$0x90];
	vm1 =	vlt.s32 v1, $0x1FFF;
	v0 =	vnsel vm0, $0x1FFF, v0  }
0x2b: {  	v7 =	vld [tilespmem:$0x80];
	vm14 =	vlt.s32 v2, $0x1FFF;
	v1 =	vnsel vm1, $0x1FFF, v1;
	[tilespmem:$0xF0] =	vst v0  }
0x2c: {  	v52 =	vld [tilespmem:$0x50];
	vm15 =	vlt.s32 v3, $0x1FFF;
	v2 =	vnsel vm14, $0x1FFF, v2;
	[tilespmem:$0xE0] =	vst v1  }
0x2d: {  	v53 =	vld [tilespmem:$0x40];
	vm4 =	vlt.s32 v4, $0x1FFF;
	v3 =	vnsel vm15, $0x1FFF, v3;
	[tilespmem:$0xD0] =	vst v2  }
0x2e: {  	v54 =	vld [tilespmem:$0x30];
	vm5 =	vlt.s32 v5, $0x1FFF;
	v4 =	vnsel vm4, $0x1FFF, v4;
	[tilespmem:$0xC0] =	vst v3  }
0x2f: {  	v55 =	vld [tilespmem:$0x20];
	vm6 =	vlt.s32 v6, $0x1FFF;
	v5 =	vnsel vm5, $0x1FFF, v5;
	[tilespmem:$0xB0] =	vst v4  }
0x30: {  	v50 =	vld [tilespmem:$0x70];
	vm7 =	vlt.s32 v7, $0x1FFF;
	v6 =	vnsel vm6, $0x1FFF, v6;
	[tilespmem:$0xA0] =	vst v5  }
0x31: {  	v51 =	vld [tilespmem:$0x60];
	vm10 =	vlt.s32 v52, $0x1FFF;
	v7 =	vnsel vm7, $0x1FFF, v7;
	[tilespmem:$0x90] =	vst v6  }
0x32: {  	v56 =	vld [tilespmem:$0x10];
	vm11 =	vlt.s32 v53, $0x1FFF;
	v58 =	vnsel vm10, $0x1FFF, v52;
	[tilespmem:$0x80] =	vst v7  }
0x33: {  	v57 =	vld [tilespmem:$0x0];
	vm12 =	vlt.s32 v54, $0x1FFF;
	v59 =	vnsel vm11, $0x1FFF, v53;
	[tilespmem:$0x50] =	vst v58  }
0x34: {  	vm13 =	vlt.s32 v55, $0x1FFF;
	v60 =	vnsel vm12, $0x1FFF, v54;
	[tilespmem:$0x40] =	vst v59  }
0x35: {  	vm8 =	vlt.s32 v50, $0x1FFF;
	v61 =	vnsel vm13, $0x1FFF, v55;
	[tilespmem:$0x30] =	vst v60  }
0x36: {  	vm9 =	vlt.s32 v51, $0x1FFF;
	v0 =	vnsel vm8, $0x1FFF, v50;
	[tilespmem:$0x20] =	vst v61  }
0x37: {  	vm14 =	vlt.s32 v56, $0x1FFF;
	v1 =	vnsel vm9, $0x1FFF, v51;
	[tilespmem:$0x70] =	vst v0  }
0x38: {  	vm15 =	vlt.s32 v57, $0x1FFF;
	v62 =	vnsel vm14, $0x1FFF, v56;
	[tilespmem:$0x60] =	vst v1  }
0x39: {  	v63 =	vnsel vm15, $0x1FFF, v57;
	[tilespmem:$0x10] =	vst v62  }
0x3a: {  	s6 =	simm.s32 $0x20;
	s7 =	simm.s32 $0x100;
	[tilespmem:$0x0] =	vst v63  }
0x3b: {  	[tilespmem:s7], [sflag:$0x1] =	stream.indirect.gather [hbm4b:s2+s6], $0x400, s3, s6, $0xb8;
	[tilespmem:$0x18100] =	vst v63  }
0x3c: {  	s17 =	simm.s32 $0x40;
	s9 =	simm.s32 $0x10100;
	s10 =	simm.s32 $0x1  }
0x3d: {  	[tilespmem:s9], [sflag:$0x3] =	stream.indirect.gather [hbm4b:s2+s6], $0x400, s17, s6, $0xb8;
	[tilespmem:$0x18100] =	vst v63  }
0x3e: {  	_ =	swait.ge [sflag:s10], $0x8000  }
0x3f: {  	[sflag:s10] =	ssyncset.done $0x0  }
0x40: {  	s11 =	simm.s32 $0x80;
	s12 =	simm.s32 $0x200;
	[sflag:s10] =	ssyncadd.s32 $0xFFFF8000  }
0x41: {  	[hbm4b:s4+s11] =	stream.strided.scatter [tilespmem:s7], [sflag:$0x4], $0x8000, s12, s11, $0x38;
	[tilespmem:$0x18100] =	vst v63  }
0x42: {  	s13 =	rddreg [dreg:$0x5]  }
0x43: {  	[hbm4b:s13+s11] =	stream.strided.scatter [tilespmem:s7], [sflag:$0x4], $0x8000, s12, s11, $0x38;
	[tilespmem:$0x18100] =	vst v63  }
0x44: {  	s14 =	rddreg [dreg:$0x6]  }
0x45: {  	[hbm4b:s14+s11] =	stream.strided.scatter [tilespmem:s7], [sflag:$0x4], $0x8000, s12, s11, $0x38;
	[tilespmem:$0x18100] =	vst v63  }
0x46: {  	s18 =	rddreg [dreg:$0x7]  }
0x47: {  	[hbm4b:s18+s11] =	stream.strided.scatter [tilespmem:s7], [sflag:$0x4], $0x8000, s12, s11, $0x38;
	[tilespmem:$0x18100] =	vst v63  }
0x48: {  	s13 =	simm.s32 $0x8100;
	s14 =	simm.s32 $0x4  }
0x49: {  	[tilespmem:s13], [sflag:$0x2] =	stream.indirect.gather [hbm4b:s2+s6], $0x400, s6, s6, $0xb8;
	[tilespmem:$0x18100] =	vst v63  }
0x4a: {  	_ =	swait.ge [sflag:s14], $0x8000  }
0x4b: {  	[sflag:s14] =	ssyncset.done $0x0  }
0x4c: {  	[sflag:s14] =	ssyncadd.s32 $0xFFFF8000  }
0x4d: {  	_ =	swait.ge [sflag:s14], $0x8000  }
0x4e: {  	[sflag:s14] =	ssyncset.done $0x0  }
0x4f: {  	[sflag:s14] =	ssyncadd.s32 $0xFFFF8000  }
0x50: {  	_ =	swait.ge [sflag:s14], $0x8000  }
0x51: {  	[sflag:s14] =	ssyncset.done $0x0  }
0x52: {  	[sflag:s14] =	ssyncadd.s32 $0xFFFF8000  }
0x53: {  	_ =	swait.ge [sflag:s14], $0x8000  }
0x54: {  	[sflag:s14] =	ssyncset.done $0x0  }
0x55: {  	s16 =	simm.s32 $0x60;
	s17 =	simm.s32 $0x2;
	[sflag:s14] =	ssyncadd.s32 $0xFFFF8000  }
0x56: {  	[tilespmem:s7], [sflag:$0x1] =	stream.indirect.gather [hbm4b:s2+s6], $0x400, s16, s6, $0xb8;
	[tilespmem:$0x18100] =	vst v63  }
0x57: {  	_ =	swait.ge [sflag:s17], $0x8000  }
0x58: {  	[sflag:s17] =	ssyncset.done $0x0  }
0x59: {  	s15 =	rddreg [dreg:$0x8];
	[sflag:s17] =	ssyncadd.s32 $0xFFFF8000  }
0x5a: {  	[hbm4b:s15+s11] =	stream.strided.scatter [tilespmem:s13], [sflag:$0x5], $0x8000, s12, s11, $0x38;
	[tilespmem:$0x18100] =	vst v63  }
0x5b: {  	s18 =	rddreg [dreg:$0x9]  }
0x5c: {  	[hbm4b:s18+s11] =	stream.strided.scatter [tilespmem:s13], [sflag:$0x5], $0x8000, s12, s11, $0x38;
	[tilespmem:$0x18100] =	vst v63  }
0x5d: {  	s19 =	rddreg [dreg:$0xa]  }
0x5e: {  	[hbm4b:s19+s11] =	stream.strided.scatter [tilespmem:s13], [sflag:$0x5], $0x8000, s12, s11, $0x38;
	[tilespmem:$0x18100] =	vst v63  }
0x5f: {  	s20 =	rddreg [dreg:$0xb];
	s15 =	simm.s32 $0x5  }
0x60: {  	[hbm4b:s20+s11] =	stream.strided.scatter [tilespmem:s13], [sflag:$0x5], $0x8000, s12, s11, $0x38;
	[tilespmem:$0x18100] =	vst v63  }
0x61: {  	_ =	swait.ge [sflag:s15], $0x8000  }
0x62: {  	[sflag:s15] =	ssyncset.done $0x0  }
0x63: {  	[sflag:s15] =	ssyncadd.s32 $0xFFFF8000  }
0x64: {  	_ =	swait.ge [sflag:s15], $0x8000  }
0x65: {  	[sflag:s15] =	ssyncset.done $0x0  }
0x66: {  	[sflag:s15] =	ssyncadd.s32 $0xFFFF8000  }
0x67: {  	_ =	swait.ge [sflag:s15], $0x8000  }
0x68: {  	[sflag:s15] =	ssyncset.done $0x0  }
0x69: {  	[sflag:s15] =	ssyncadd.s32 $0xFFFF8000  }
0x6a: {  	_ =	swait.ge [sflag:s15], $0x8000  }
0x6b: {  	[sflag:s15] =	ssyncset.done $0x0  }
0x6c: {  	s18 =	simm.s32 $0x3;
	[sflag:s15] =	ssyncadd.s32 $0xFFFF8000  }
0x6d: {  	[tilespmem:s13], [sflag:$0x2] =	stream.indirect.gather [hbm4b:s2+s6], $0x400, s11, s6, $0xb8;
	[tilespmem:$0x18100] =	vst v63  }
0x6e: {  	_ =	swait.ge [sflag:s18], $0x8000  }
0x6f: {  	[sflag:s18] =	ssyncset.done $0x0  }
0x70: {  	s19 =	rddreg [dreg:$0xc];
	[sflag:s18] =	ssyncadd.s32 $0xFFFF8000  }
0x71: {  	[hbm4b:s19+s11] =	stream.strided.scatter [tilespmem:s9], [sflag:$0x6], $0x8000, s12, s11, $0x38;
	[tilespmem:$0x18100] =	vst v63  }
0x72: {  	s20 =	rddreg [dreg:$0xd]  }
0x73: {  	[hbm4b:s20+s11] =	stream.strided.scatter [tilespmem:s9], [sflag:$0x6], $0x8000, s12, s11, $0x38;
	[tilespmem:$0x18100] =	vst v63  }
0x74: {  	s21 =	rddreg [dreg:$0xe]  }
0x75: {  	[hbm4b:s21+s11] =	stream.strided.scatter [tilespmem:s9], [sflag:$0x6], $0x8000, s12, s11, $0x38;
	[tilespmem:$0x18100] =	vst v63  }
0x76: {  	s22 =	rddreg [dreg:$0xf];
	s19 =	simm.s32 $0x6  }
0x77: {  	[hbm4b:s22+s11] =	stream.strided.scatter [tilespmem:s9], [sflag:$0x6], $0x8000, s12, s11, $0x38;
	[tilespmem:$0x18100] =	vst v63  }
0x78: {  	_ =	swait.ge [sflag:s19], $0x8000  }
0x79: {  	[sflag:s19] =	ssyncset.done $0x0  }
0x7a: {  	[sflag:s19] =	ssyncadd.s32 $0xFFFF8000  }
0x7b: {  	_ =	swait.ge [sflag:s19], $0x8000  }
0x7c: {  	[sflag:s19] =	ssyncset.done $0x0  }
0x7d: {  	[sflag:s19] =	ssyncadd.s32 $0xFFFF8000  }
0x7e: {  	_ =	swait.ge [sflag:s19], $0x8000  }
0x7f: {  	[sflag:s19] =	ssyncset.done $0x0  }
0x80: {  	[sflag:s19] =	ssyncadd.s32 $0xFFFF8000  }
0x81: {  	_ =	swait.ge [sflag:s19], $0x8000  }
0x82: {  	[sflag:s19] =	ssyncset.done $0x0  }
0x83: {  	s20 =	simm.s32 $0xA0;
	[sflag:s19] =	ssyncadd.s32 $0xFFFF8000  }
0x84: {  	[tilespmem:s9], [sflag:$0x3] =	stream.indirect.gather [hbm4b:s2+s6], $0x400, s20, s6, $0xb8;
	[tilespmem:$0x18100] =	vst v63  }
0x85: {  	_ =	swait.ge [sflag:s10], $0x8000  }
0x86: {  	[sflag:s10] =	ssyncset.done $0x0  }
0x87: {  	s21 =	rddreg [dreg:$0x10];
	[sflag:s10] =	ssyncadd.s32 $0xFFFF8000  }
0x88: {  	[hbm4b:s21+s11] =	stream.strided.scatter [tilespmem:s7], [sflag:$0x4], $0x8000, s12, s11, $0x38;
	[tilespmem:$0x18100] =	vst v63  }
0x89: {  	s22 =	rddreg [dreg:$0x11]  }
0x8a: {  	[hbm4b:s22+s11] =	stream.strided.scatter [tilespmem:s7], [sflag:$0x4], $0x8000, s12, s11, $0x38;
	[tilespmem:$0x18100] =	vst v63  }
0x8b: {  	s23 =	rddreg [dreg:$0x12]  }
0x8c: {  	[hbm4b:s23+s11] =	stream.strided.scatter [tilespmem:s7], [sflag:$0x4], $0x8000, s12, s11, $0x38;
	[tilespmem:$0x18100] =	vst v63  }
0x8d: {  	s24 =	rddreg [dreg:$0x13]  }
0x8e: {  	[hbm4b:s24+s11] =	stream.strided.scatter [tilespmem:s7], [sflag:$0x4], $0x8000, s12, s11, $0x38;
	[tilespmem:$0x18100] =	vst v63  }
0x8f: {  	_ =	swait.ge [sflag:s14], $0x8000  }
0x90: {  	[sflag:s14] =	ssyncset.done $0x0  }
0x91: {  	[sflag:s14] =	ssyncadd.s32 $0xFFFF8000  }
0x92: {  	_ =	swait.ge [sflag:s14], $0x8000  }
0x93: {  	[sflag:s14] =	ssyncset.done $0x0  }
0x94: {  	[sflag:s14] =	ssyncadd.s32 $0xFFFF8000  }
0x95: {  	_ =	swait.ge [sflag:s14], $0x8000  }
0x96: {  	[sflag:s14] =	ssyncset.done $0x0  }
0x97: {  	[sflag:s14] =	ssyncadd.s32 $0xFFFF8000  }
0x98: {  	_ =	swait.ge [sflag:s14], $0x8000  }
0x99: {  	[sflag:s14] =	ssyncset.done $0x0  }
0x9a: {  	s21 =	simm.s32 $0xC0;
	[sflag:s14] =	ssyncadd.s32 $0xFFFF8000  }
0x9b: {  	[tilespmem:s7], [sflag:$0x1] =	stream.indirect.gather [hbm4b:s2+s6], $0x400, s21, s6, $0xb8;
	[tilespmem:$0x18100] =	vst v63  }
0x9c: {  	_ =	swait.ge [sflag:s17], $0x8000  }
0x9d: {  	[sflag:s17] =	ssyncset.done $0x0  }
0x9e: {  	s25 =	rddreg [dreg:$0x14];
	[sflag:s17] =	ssyncadd.s32 $0xFFFF8000  }
0x9f: {  	[hbm4b:s25+s11] =	stream.strided.scatter [tilespmem:s13], [sflag:$0x5], $0x8000, s12, s11, $0x38;
	[tilespmem:$0x18100] =	vst v63  }
0xa0: {  	s23 =	rddreg [dreg:$0x15]  }
0xa1: {  	[hbm4b:s23+s11] =	stream.strided.scatter [tilespmem:s13], [sflag:$0x5], $0x8000, s12, s11, $0x38;
	[tilespmem:$0x18100] =	vst v63  }
0xa2: {  	s26 =	rddreg [dreg:$0x16]  }
0xa3: {  	[hbm4b:s26+s11] =	stream.strided.scatter [tilespmem:s13], [sflag:$0x5], $0x8000, s12, s11, $0x38;
	[tilespmem:$0x18100] =	vst v63  }
0xa4: {  	s0 =	rddreg [dreg:$0x17]  }
0xa5: {  	[hbm4b:s0+s11] =	stream.strided.scatter [tilespmem:s13], [sflag:$0x5], $0x8000, s12, s11, $0x38;
	[tilespmem:$0x18100] =	vst v63  }
0xa6: {  	_ =	swait.ge [sflag:s15], $0x8000  }
0xa7: {  	[sflag:s15] =	ssyncset.done $0x0  }
0xa8: {  	[sflag:s15] =	ssyncadd.s32 $0xFFFF8000  }
0xa9: {  	_ =	swait.ge [sflag:s15], $0x8000  }
0xaa: {  	[sflag:s15] =	ssyncset.done $0x0  }
0xab: {  	[sflag:s15] =	ssyncadd.s32 $0xFFFF8000  }
0xac: {  	_ =	swait.ge [sflag:s15], $0x8000  }
0xad: {  	[sflag:s15] =	ssyncset.done $0x0  }
0xae: {  	[sflag:s15] =	ssyncadd.s32 $0xFFFF8000  }
0xaf: {  	_ =	swait.ge [sflag:s15], $0x8000  }
0xb0: {  	[sflag:s15] =	ssyncset.done $0x0  }
0xb1: {  	s22 =	simm.s32 $0xE0;
	[sflag:s15] =	ssyncadd.s32 $0xFFFF8000  }
0xb2: {  	[tilespmem:s13], [sflag:$0x2] =	stream.indirect.gather [hbm4b:s2+s6], $0x400, s22, s6, $0xb8;
	[tilespmem:$0x18100] =	vst v63  }
0xb3: {  	_ =	swait.ge [sflag:s18], $0x8000  }
0xb4: {  	[sflag:s18] =	ssyncset.done $0x0  }
0xb5: {  	s8 =	rddreg [dreg:$0x18];
	[sflag:s18] =	ssyncadd.s32 $0xFFFF8000  }
0xb6: {  	[hbm4b:s8+s11] =	stream.strided.scatter [tilespmem:s9], [sflag:$0x6], $0x8000, s12, s11, $0x38;
	[tilespmem:$0x18100] =	vst v63  }
0xb7: {  	s24 =	rddreg [dreg:$0x19]  }
0xb8: {  	[hbm4b:s24+s11] =	stream.strided.scatter [tilespmem:s9], [sflag:$0x6], $0x8000, s12, s11, $0x38;
	[tilespmem:$0x18100] =	vst v63  }
0xb9: {  	s25 =	rddreg [dreg:$0x1a]  }
0xba: {  	[hbm4b:s25+s11] =	stream.strided.scatter [tilespmem:s9], [sflag:$0x6], $0x8000, s12, s11, $0x38;
	[tilespmem:$0x18100] =	vst v63  }
0xbb: {  	s26 =	rddreg [dreg:$0x1b]  }
0xbc: {  	[hbm4b:s26+s11] =	stream.strided.scatter [tilespmem:s9], [sflag:$0x6], $0x8000, s12, s11, $0x38;
	[tilespmem:$0x18100] =	vst v63  }
0xbd: {  	_ =	swait.ge [sflag:s19], $0x8000  }
0xbe: {  	[sflag:s19] =	ssyncset.done $0x0  }
0xbf: {  	[sflag:s19] =	ssyncadd.s32 $0xFFFF8000  }
0xc0: {  	_ =	swait.ge [sflag:s19], $0x8000  }
0xc1: {  	[sflag:s19] =	ssyncset.done $0x0  }
0xc2: {  	[sflag:s19] =	ssyncadd.s32 $0xFFFF8000  }
0xc3: {  	_ =	swait.ge [sflag:s19], $0x8000  }
0xc4: {  	[sflag:s19] =	ssyncset.done $0x0  }
0xc5: {  	[sflag:s19] =	ssyncadd.s32 $0xFFFF8000  }
0xc6: {  	_ =	swait.ge [sflag:s19], $0x8000  }
0xc7: {  	[sflag:s19] =	ssyncset.done $0x0  }
0xc8: {  	[sflag:s19] =	ssyncadd.s32 $0xFFFF8000  }
0xc9: {  	_ =	swait.ge [sflag:s10], $0x8000  }
0xca: {  	[sflag:s10] =	ssyncset.done $0x0  }
0xcb: {  	s23 =	sadd.s32 $0x18000, s4;
	[sflag:s10] =	ssyncadd.s32 $0xFFFF8000  }
0xcc: {  	[hbm4b:s23+s11] =	stream.strided.scatter [tilespmem:s7], [sflag:$0x4], $0x8000, s12, s11, $0x38;
	[tilespmem:$0x18100] =	vst v63  }
0xcd: {  	s24 =	sadd.s32 $0x18010, s4  }
0xce: {  	[hbm4b:s24+s11] =	stream.strided.scatter [tilespmem:s7], [sflag:$0x4], $0x8000, s12, s11, $0x38;
	[tilespmem:$0x18100] =	vst v63  }
0xcf: {  	s25 =	sadd.s32 $0x18020, s4  }
0xd0: {  	[hbm4b:s25+s11] =	stream.strided.scatter [tilespmem:s7], [sflag:$0x4], $0x8000, s12, s11, $0x38;
	[tilespmem:$0x18100] =	vst v63  }
0xd1: {  	s26 =	sadd.s32 $0x18030, s4  }
0xd2: {  	[hbm4b:s26+s11] =	stream.strided.scatter [tilespmem:s7], [sflag:$0x4], $0x8000, s12, s11, $0x38;
	[tilespmem:$0x18100] =	vst v63  }
0xd3: {  	_ =	swait.ge [sflag:s14], $0x8000  }
0xd4: {  	[sflag:s14] =	ssyncset.done $0x0  }
0xd5: {  	[sflag:s14] =	ssyncadd.s32 $0xFFFF8000  }
0xd6: {  	_ =	swait.ge [sflag:s14], $0x8000  }
0xd7: {  	[sflag:s14] =	ssyncset.done $0x0  }
0xd8: {  	[sflag:s14] =	ssyncadd.s32 $0xFFFF8000  }
0xd9: {  	_ =	swait.ge [sflag:s14], $0x8000  }
0xda: {  	[sflag:s14] =	ssyncset.done $0x0  }
0xdb: {  	s1 =	ssub.s32 $0x2, s1;
	[sflag:s14] =	ssyncadd.s32 $0xFFFF8000  }
0xdc: {  	s28 =	sshrl.u32 s1, $0x1;
	_ =	swait.ge [sflag:s14], $0x8000  }
0xdd: {  	s1 =	ssub.s32 s1, s28;
	[sflag:s14] =	ssyncset.done $0x0  }
0xde: {  	s1 =	smax.u32 s1, $0x1;
	[sflag:s14] =	ssyncadd.s32 $0xFFFF8000  }
0xdf: {  	p0 =	sne.s32 s1, $0x1;
	_ =	swait.ge [sflag:s17], $0x8000  }
.Ltmp0:
0xe0: {  	[sflag:s17] =	ssyncset.done $0x0;
	(pc) =	sbr.rel @!p0 .LBB2_2-.Ltmp0, $4  }
0xe1: {  	s28 =	sadd.s32 $0x1C000, s4;
	s29 =	sadd.s32 $0x1C010, s4;
	[sflag:s17] =	ssyncadd.s32 $0xFFFF8000  }
0xe2: {  	[hbm4b:s28+s11] =	stream.strided.scatter [tilespmem:s13], [sflag:$0x5], $0x8000, s12, s11, $0x38;
	[tilespmem:$0x18100] =	vst v63  }
0xe3: {  	s30 =	sadd.s32 $0x1C020, s4;
	s31 =	sadd.s32 $0x1C030, s4;
	s1 =	sadd.s32 $0xFFFFFFFF, s1  }
0xe4: {  	[hbm4b:s29+s11] =	stream.strided.scatter [tilespmem:s13], [sflag:$0x5], $0x8000, s12, s11, $0x38;
	[tilespmem:$0x18100] =	vst v63  }
.LBB2_1:
0xe5: {  	[hbm4b:s30+s11] =	stream.strided.scatter [tilespmem:s13], [sflag:$0x5], $0x8000, s12, s11, $0x38;
	[tilespmem:$0x18100] =	vst v63  }
0xe6: {  	_ = 	snop  }
0xe7: {  	[hbm4b:s31+s11] =	stream.strided.scatter [tilespmem:s13], [sflag:$0x5], $0x8000, s12, s11, $0x38;
	[tilespmem:$0x18100] =	vst v63  }
0xe8: {  	_ =	swait.ge [sflag:s15], $0x8000  }
0xe9: {  	[sflag:s15] =	ssyncset.done $0x0  }
0xea: {  	[sflag:s15] =	ssyncadd.s32 $0xFFFF8000  }
0xeb: {  	_ =	swait.ge [sflag:s15], $0x8000  }
0xec: {  	[sflag:s15] =	ssyncset.done $0x0  }
0xed: {  	[sflag:s15] =	ssyncadd.s32 $0xFFFF8000  }
0xee: {  	_ =	swait.ge [sflag:s15], $0x8000  }
0xef: {  	[sflag:s15] =	ssyncset.done $0x0  }
0xf0: {  	[sflag:s15] =	ssyncadd.s32 $0xFFFF8000  }
0xf1: {  	_ =	swait.ge [sflag:s15], $0x8000  }
0xf2: {  	[sflag:s15] =	ssyncset.done $0x0  }
0xf3: {  	s0 =	rddreg [dreg:$0x4];
	[sflag:s15] =	ssyncadd.s32 $0xFFFF8000  }
0xf4: {  	[tilespmem:s3], [sflag:$0x7] =	stream.linear.gather [hbm4b:s0+s3], $0x100, $0x38;
	[tilespmem:$0x18100] =	vst v63  }
0xf5: {  	_ =	swait.ge [sflag:s5], $0x100  }
0xf6: {  	[sflag:s5] =	ssyncset.done $0x0  }
0xf7: {  	[sflag:s5] =	ssyncadd.s32 $0xFFFFFF00  }
0xf8: {  	v0 =	vld [tilespmem:$0xF0]  }
0xf9: {  	v1 =	vld [tilespmem:$0xE0]  }
0xfa: {  	v2 =	vld [tilespmem:$0xD0]  }
0xfb: {  	v3 =	vld [tilespmem:$0xC0]  }
0xfc: {  	v4 =	vld [tilespmem:$0xB0]  }
0xfd: {  	v5 =	vld [tilespmem:$0xA0];
	vm0 =	vlt.s32 v0, $0x1FFF  }
0xfe: {  	v6 =	vld [tilespmem:$0x90];
	vm1 =	vlt.s32 v1, $0x1FFF;
	v0 =	vnsel vm0, $0x1FFF, v0  }
0xff: {  	v7 =	vld [tilespmem:$0x80];
	vm14 =	vlt.s32 v2, $0x1FFF;
	v1 =	vnsel vm1, $0x1FFF, v1;
	[tilespmem:$0xF0] =	vst v0  }
0x100: {  	v52 =	vld [tilespmem:$0x50];
	vm15 =	vlt.s32 v3, $0x1FFF;
	v2 =	vnsel vm14, $0x1FFF, v2;
	[tilespmem:$0xE0] =	vst v1  }
0x101: {  	v53 =	vld [tilespmem:$0x40];
	vm4 =	vlt.s32 v4, $0x1FFF;
	v3 =	vnsel vm15, $0x1FFF, v3;
	[tilespmem:$0xD0] =	vst v2  }
0x102: {  	v54 =	vld [tilespmem:$0x30];
	vm5 =	vlt.s32 v5, $0x1FFF;
	v4 =	vnsel vm4, $0x1FFF, v4;
	[tilespmem:$0xC0] =	vst v3  }
0x103: {  	v55 =	vld [tilespmem:$0x20];
	vm6 =	vlt.s32 v6, $0x1FFF;
	v5 =	vnsel vm5, $0x1FFF, v5;
	[tilespmem:$0xB0] =	vst v4  }
0x104: {  	v50 =	vld [tilespmem:$0x70];
	vm7 =	vlt.s32 v7, $0x1FFF;
	v6 =	vnsel vm6, $0x1FFF, v6;
	[tilespmem:$0xA0] =	vst v5  }
0x105: {  	v51 =	vld [tilespmem:$0x60];
	vm10 =	vlt.s32 v52, $0x1FFF;
	v7 =	vnsel vm7, $0x1FFF, v7;
	[tilespmem:$0x90] =	vst v6  }
0x106: {  	v56 =	vld [tilespmem:$0x10];
	vm11 =	vlt.s32 v53, $0x1FFF;
	v58 =	vnsel vm10, $0x1FFF, v52;
	[tilespmem:$0x80] =	vst v7  }
0x107: {  	v57 =	vld [tilespmem:$0x0];
	vm12 =	vlt.s32 v54, $0x1FFF;
	v59 =	vnsel vm11, $0x1FFF, v53;
	[tilespmem:$0x50] =	vst v58  }
0x108: {  	vm13 =	vlt.s32 v55, $0x1FFF;
	v60 =	vnsel vm12, $0x1FFF, v54;
	[tilespmem:$0x40] =	vst v59  }
0x109: {  	vm8 =	vlt.s32 v50, $0x1FFF;
	v61 =	vnsel vm13, $0x1FFF, v55;
	[tilespmem:$0x30] =	vst v60  }
0x10a: {  	vm9 =	vlt.s32 v51, $0x1FFF;
	v0 =	vnsel vm8, $0x1FFF, v50;
	[tilespmem:$0x20] =	vst v61  }
0x10b: {  	vm14 =	vlt.s32 v56, $0x1FFF;
	v1 =	vnsel vm9, $0x1FFF, v51;
	[tilespmem:$0x70] =	vst v0  }
0x10c: {  	vm15 =	vlt.s32 v57, $0x1FFF;
	v62 =	vnsel vm14, $0x1FFF, v56;
	[tilespmem:$0x60] =	vst v1  }
0x10d: {  	v63 =	vnsel vm15, $0x1FFF, v57;
	[tilespmem:$0x10] =	vst v62  }
0x10e: {  	[tilespmem:$0x0] =	vst v63  }
0x10f: {  	[tilespmem:s7], [sflag:$0x1] =	stream.indirect.gather [hbm4b:s2+s6], $0x400, s3, s6, $0xb8;
	[tilespmem:$0x18100] =	vst v63  }
0x110: {  	s8 =	simm.s32 $0x40  }
0x111: {  	[tilespmem:s9], [sflag:$0x3] =	stream.indirect.gather [hbm4b:s2+s6], $0x400, s8, s6, $0xb8;
	[tilespmem:$0x18100] =	vst v63  }
0x112: {  	_ =	swait.ge [sflag:s10], $0x8000  }
0x113: {  	[sflag:s10] =	ssyncset.done $0x0  }
0x114: {  	[sflag:s10] =	ssyncadd.s32 $0xFFFF8000  }
0x115: {  	[hbm4b:s4+s11] =	stream.strided.scatter [tilespmem:s7], [sflag:$0x4], $0x8000, s12, s11, $0x38;
	[tilespmem:$0x18100] =	vst v63  }
0x116: {  	s0 =	rddreg [dreg:$0x5]  }
0x117: {  	[hbm4b:s0+s11] =	stream.strided.scatter [tilespmem:s7], [sflag:$0x4], $0x8000, s12, s11, $0x38;
	[tilespmem:$0x18100] =	vst v63  }
0x118: {  	s8 =	rddreg [dreg:$0x6]  }
0x119: {  	[hbm4b:s8+s11] =	stream.strided.scatter [tilespmem:s7], [sflag:$0x4], $0x8000, s12, s11, $0x38;
	[tilespmem:$0x18100] =	vst v63  }
0x11a: {  	s0 =	rddreg [dreg:$0x7]  }
0x11b: {  	[hbm4b:s0+s11] =	stream.strided.scatter [tilespmem:s7], [sflag:$0x4], $0x8000, s12, s11, $0x38;
	[tilespmem:$0x18100] =	vst v63  }
0x11c: {  	_ = 	snop  }
0x11d: {  	[tilespmem:s13], [sflag:$0x2] =	stream.indirect.gather [hbm4b:s2+s6], $0x400, s6, s6, $0xb8;
	[tilespmem:$0x18100] =	vst v63  }
0x11e: {  	_ =	swait.ge [sflag:s14], $0x8000  }
0x11f: {  	[sflag:s14] =	ssyncset.done $0x0  }
0x120: {  	[sflag:s14] =	ssyncadd.s32 $0xFFFF8000  }
0x121: {  	_ =	swait.ge [sflag:s14], $0x8000  }
0x122: {  	[sflag:s14] =	ssyncset.done $0x0  }
0x123: {  	[sflag:s14] =	ssyncadd.s32 $0xFFFF8000  }
0x124: {  	_ =	swait.ge [sflag:s14], $0x8000  }
0x125: {  	[sflag:s14] =	ssyncset.done $0x0  }
0x126: {  	[sflag:s14] =	ssyncadd.s32 $0xFFFF8000  }
0x127: {  	_ =	swait.ge [sflag:s14], $0x8000  }
0x128: {  	[sflag:s14] =	ssyncset.done $0x0  }
0x129: {  	[sflag:s14] =	ssyncadd.s32 $0xFFFF8000  }
0x12a: {  	[tilespmem:s7], [sflag:$0x1] =	stream.indirect.gather [hbm4b:s2+s6], $0x400, s16, s6, $0xb8;
	[tilespmem:$0x18100] =	vst v63  }
0x12b: {  	_ =	swait.ge [sflag:s17], $0x8000  }
0x12c: {  	[sflag:s17] =	ssyncset.done $0x0  }
0x12d: {  	s0 =	rddreg [dreg:$0x8];
	[sflag:s17] =	ssyncadd.s32 $0xFFFF8000  }
0x12e: {  	[hbm4b:s0+s11] =	stream.strided.scatter [tilespmem:s13], [sflag:$0x5], $0x8000, s12, s11, $0x38;
	[tilespmem:$0x18100] =	vst v63  }
0x12f: {  	s8 =	rddreg [dreg:$0x9]  }
0x130: {  	[hbm4b:s8+s11] =	stream.strided.scatter [tilespmem:s13], [sflag:$0x5], $0x8000, s12, s11, $0x38;
	[tilespmem:$0x18100] =	vst v63  }
0x131: {  	s0 =	rddreg [dreg:$0xa]  }
0x132: {  	[hbm4b:s0+s11] =	stream.strided.scatter [tilespmem:s13], [sflag:$0x5], $0x8000, s12, s11, $0x38;
	[tilespmem:$0x18100] =	vst v63  }
0x133: {  	s8 =	rddreg [dreg:$0xb]  }
0x134: {  	[hbm4b:s8+s11] =	stream.strided.scatter [tilespmem:s13], [sflag:$0x5], $0x8000, s12, s11, $0x38;
	[tilespmem:$0x18100] =	vst v63  }
0x135: {  	_ =	swait.ge [sflag:s15], $0x8000  }
0x136: {  	[sflag:s15] =	ssyncset.done $0x0  }
0x137: {  	[sflag:s15] =	ssyncadd.s32 $0xFFFF8000  }
0x138: {  	_ =	swait.ge [sflag:s15], $0x8000  }
0x139: {  	[sflag:s15] =	ssyncset.done $0x0  }
0x13a: {  	[sflag:s15] =	ssyncadd.s32 $0xFFFF8000  }
0x13b: {  	_ =	swait.ge [sflag:s15], $0x8000  }
0x13c: {  	[sflag:s15] =	ssyncset.done $0x0  }
0x13d: {  	[sflag:s15] =	ssyncadd.s32 $0xFFFF8000  }
0x13e: {  	_ =	swait.ge [sflag:s15], $0x8000  }
0x13f: {  	[sflag:s15] =	ssyncset.done $0x0  }
0x140: {  	[sflag:s15] =	ssyncadd.s32 $0xFFFF8000  }
0x141: {  	[tilespmem:s13], [sflag:$0x2] =	stream.indirect.gather [hbm4b:s2+s6], $0x400, s11, s6, $0xb8;
	[tilespmem:$0x18100] =	vst v63  }
0x142: {  	_ =	swait.ge [sflag:s18], $0x8000  }
0x143: {  	[sflag:s18] =	ssyncset.done $0x0  }
0x144: {  	s0 =	rddreg [dreg:$0xc];
	[sflag:s18] =	ssyncadd.s32 $0xFFFF8000  }
0x145: {  	[hbm4b:s0+s11] =	stream.strided.scatter [tilespmem:s9], [sflag:$0x6], $0x8000, s12, s11, $0x38;
	[tilespmem:$0x18100] =	vst v63  }
0x146: {  	s8 =	rddreg [dreg:$0xd]  }
0x147: {  	[hbm4b:s8+s11] =	stream.strided.scatter [tilespmem:s9], [sflag:$0x6], $0x8000, s12, s11, $0x38;
	[tilespmem:$0x18100] =	vst v63  }
0x148: {  	s0 =	rddreg [dreg:$0xe]  }
0x149: {  	[hbm4b:s0+s11] =	stream.strided.scatter [tilespmem:s9], [sflag:$0x6], $0x8000, s12, s11, $0x38;
	[tilespmem:$0x18100] =	vst v63  }
0x14a: {  	s8 =	rddreg [dreg:$0xf]  }
0x14b: {  	[hbm4b:s8+s11] =	stream.strided.scatter [tilespmem:s9], [sflag:$0x6], $0x8000, s12, s11, $0x38;
	[tilespmem:$0x18100] =	vst v63  }
0x14c: {  	_ =	swait.ge [sflag:s19], $0x8000  }
0x14d: {  	[sflag:s19] =	ssyncset.done $0x0  }
0x14e: {  	[sflag:s19] =	ssyncadd.s32 $0xFFFF8000  }
0x14f: {  	_ =	swait.ge [sflag:s19], $0x8000  }
0x150: {  	[sflag:s19] =	ssyncset.done $0x0  }
0x151: {  	[sflag:s19] =	ssyncadd.s32 $0xFFFF8000  }
0x152: {  	_ =	swait.ge [sflag:s19], $0x8000  }
0x153: {  	[sflag:s19] =	ssyncset.done $0x0  }
0x154: {  	[sflag:s19] =	ssyncadd.s32 $0xFFFF8000  }
0x155: {  	_ =	swait.ge [sflag:s19], $0x8000  }
0x156: {  	[sflag:s19] =	ssyncset.done $0x0  }
0x157: {  	[sflag:s19] =	ssyncadd.s32 $0xFFFF8000  }
0x158: {  	[tilespmem:s9], [sflag:$0x3] =	stream.indirect.gather [hbm4b:s2+s6], $0x400, s20, s6, $0xb8;
	[tilespmem:$0x18100] =	vst v63  }
0x159: {  	_ =	swait.ge [sflag:s10], $0x8000  }
0x15a: {  	[sflag:s10] =	ssyncset.done $0x0  }
0x15b: {  	s0 =	rddreg [dreg:$0x10];
	[sflag:s10] =	ssyncadd.s32 $0xFFFF8000  }
0x15c: {  	[hbm4b:s0+s11] =	stream.strided.scatter [tilespmem:s7], [sflag:$0x4], $0x8000, s12, s11, $0x38;
	[tilespmem:$0x18100] =	vst v63  }
0x15d: {  	s8 =	rddreg [dreg:$0x11]  }
0x15e: {  	[hbm4b:s8+s11] =	stream.strided.scatter [tilespmem:s7], [sflag:$0x4], $0x8000, s12, s11, $0x38;
	[tilespmem:$0x18100] =	vst v63  }
0x15f: {  	s0 =	rddreg [dreg:$0x12]  }
0x160: {  	[hbm4b:s0+s11] =	stream.strided.scatter [tilespmem:s7], [sflag:$0x4], $0x8000, s12, s11, $0x38;
	[tilespmem:$0x18100] =	vst v63  }
0x161: {  	s8 =	rddreg [dreg:$0x13]  }
0x162: {  	[hbm4b:s8+s11] =	stream.strided.scatter [tilespmem:s7], [sflag:$0x4], $0x8000, s12, s11, $0x38;
	[tilespmem:$0x18100] =	vst v63  }
0x163: {  	_ =	swait.ge [sflag:s14], $0x8000  }
0x164: {  	[sflag:s14] =	ssyncset.done $0x0  }
0x165: {  	[sflag:s14] =	ssyncadd.s32 $0xFFFF8000  }
0x166: {  	_ =	swait.ge [sflag:s14], $0x8000  }
0x167: {  	[sflag:s14] =	ssyncset.done $0x0  }
0x168: {  	[sflag:s14] =	ssyncadd.s32 $0xFFFF8000  }
0x169: {  	_ =	swait.ge [sflag:s14], $0x8000  }
0x16a: {  	[sflag:s14] =	ssyncset.done $0x0  }
0x16b: {  	[sflag:s14] =	ssyncadd.s32 $0xFFFF8000  }
0x16c: {  	_ =	swait.ge [sflag:s14], $0x8000  }
0x16d: {  	[sflag:s14] =	ssyncset.done $0x0  }
0x16e: {  	[sflag:s14] =	ssyncadd.s32 $0xFFFF8000  }
0x16f: {  	[tilespmem:s7], [sflag:$0x1] =	stream.indirect.gather [hbm4b:s2+s6], $0x400, s21, s6, $0xb8;
	[tilespmem:$0x18100] =	vst v63  }
0x170: {  	_ =	swait.ge [sflag:s17], $0x8000  }
0x171: {  	[sflag:s17] =	ssyncset.done $0x0  }
0x172: {  	s0 =	rddreg [dreg:$0x14];
	[sflag:s17] =	ssyncadd.s32 $0xFFFF8000  }
0x173: {  	[hbm4b:s0+s11] =	stream.strided.scatter [tilespmem:s13], [sflag:$0x5], $0x8000, s12, s11, $0x38;
	[tilespmem:$0x18100] =	vst v63  }
0x174: {  	s8 =	rddreg [dreg:$0x15]  }
0x175: {  	[hbm4b:s8+s11] =	stream.strided.scatter [tilespmem:s13], [sflag:$0x5], $0x8000, s12, s11, $0x38;
	[tilespmem:$0x18100] =	vst v63  }
0x176: {  	s0 =	rddreg [dreg:$0x16]  }
0x177: {  	[hbm4b:s0+s11] =	stream.strided.scatter [tilespmem:s13], [sflag:$0x5], $0x8000, s12, s11, $0x38;
	[tilespmem:$0x18100] =	vst v63  }
0x178: {  	s8 =	rddreg [dreg:$0x17]  }
0x179: {  	[hbm4b:s8+s11] =	stream.strided.scatter [tilespmem:s13], [sflag:$0x5], $0x8000, s12, s11, $0x38;
	[tilespmem:$0x18100] =	vst v63  }
0x17a: {  	_ =	swait.ge [sflag:s15], $0x8000  }
0x17b: {  	[sflag:s15] =	ssyncset.done $0x0  }
0x17c: {  	[sflag:s15] =	ssyncadd.s32 $0xFFFF8000  }
0x17d: {  	_ =	swait.ge [sflag:s15], $0x8000  }
0x17e: {  	[sflag:s15] =	ssyncset.done $0x0  }
0x17f: {  	[sflag:s15] =	ssyncadd.s32 $0xFFFF8000  }
0x180: {  	_ =	swait.ge [sflag:s15], $0x8000  }
0x181: {  	[sflag:s15] =	ssyncset.done $0x0  }
0x182: {  	[sflag:s15] =	ssyncadd.s32 $0xFFFF8000  }
0x183: {  	_ =	swait.ge [sflag:s15], $0x8000  }
0x184: {  	[sflag:s15] =	ssyncset.done $0x0  }
0x185: {  	[sflag:s15] =	ssyncadd.s32 $0xFFFF8000  }
0x186: {  	[tilespmem:s13], [sflag:$0x2] =	stream.indirect.gather [hbm4b:s2+s6], $0x400, s22, s6, $0xb8;
	[tilespmem:$0x18100] =	vst v63  }
0x187: {  	_ =	swait.ge [sflag:s18], $0x8000  }
0x188: {  	[sflag:s18] =	ssyncset.done $0x0  }
0x189: {  	s0 =	rddreg [dreg:$0x18];
	[sflag:s18] =	ssyncadd.s32 $0xFFFF8000  }
0x18a: {  	[hbm4b:s0+s11] =	stream.strided.scatter [tilespmem:s9], [sflag:$0x6], $0x8000, s12, s11, $0x38;
	[tilespmem:$0x18100] =	vst v63  }
0x18b: {  	s8 =	rddreg [dreg:$0x19]  }
0x18c: {  	[hbm4b:s8+s11] =	stream.strided.scatter [tilespmem:s9], [sflag:$0x6], $0x8000, s12, s11, $0x38;
	[tilespmem:$0x18100] =	vst v63  }
0x18d: {  	s0 =	rddreg [dreg:$0x1a]  }
0x18e: {  	[hbm4b:s0+s11] =	stream.strided.scatter [tilespmem:s9], [sflag:$0x6], $0x8000, s12, s11, $0x38;
	[tilespmem:$0x18100] =	vst v63  }
0x18f: {  	s8 =	rddreg [dreg:$0x1b]  }
0x190: {  	[hbm4b:s8+s11] =	stream.strided.scatter [tilespmem:s9], [sflag:$0x6], $0x8000, s12, s11, $0x38;
	[tilespmem:$0x18100] =	vst v63  }
0x191: {  	_ =	swait.ge [sflag:s19], $0x8000  }
0x192: {  	[sflag:s19] =	ssyncset.done $0x0  }
0x193: {  	[sflag:s19] =	ssyncadd.s32 $0xFFFF8000  }
0x194: {  	_ =	swait.ge [sflag:s19], $0x8000  }
0x195: {  	[sflag:s19] =	ssyncset.done $0x0  }
0x196: {  	[sflag:s19] =	ssyncadd.s32 $0xFFFF8000  }
0x197: {  	_ =	swait.ge [sflag:s19], $0x8000  }
0x198: {  	[sflag:s19] =	ssyncset.done $0x0  }
0x199: {  	[sflag:s19] =	ssyncadd.s32 $0xFFFF8000  }
0x19a: {  	_ =	swait.ge [sflag:s19], $0x8000  }
0x19b: {  	[sflag:s19] =	ssyncset.done $0x0  }
0x19c: {  	[sflag:s19] =	ssyncadd.s32 $0xFFFF8000  }
0x19d: {  	_ =	swait.ge [sflag:s10], $0x8000  }
0x19e: {  	[sflag:s10] =	ssyncset.done $0x0  }
0x19f: {  	[sflag:s10] =	ssyncadd.s32 $0xFFFF8000  }
0x1a0: {  	[hbm4b:s23+s11] =	stream.strided.scatter [tilespmem:s7], [sflag:$0x4], $0x8000, s12, s11, $0x38;
	[tilespmem:$0x18100] =	vst v63  }
0x1a1: {  	_ = 	snop  }
0x1a2: {  	[hbm4b:s24+s11] =	stream.strided.scatter [tilespmem:s7], [sflag:$0x4], $0x8000, s12, s11, $0x38;
	[tilespmem:$0x18100] =	vst v63  }
0x1a3: {  	_ = 	snop  }
0x1a4: {  	[hbm4b:s25+s11] =	stream.strided.scatter [tilespmem:s7], [sflag:$0x4], $0x8000, s12, s11, $0x38;
	[tilespmem:$0x18100] =	vst v63  }
0x1a5: {  	_ = 	snop  }
0x1a6: {  	[hbm4b:s26+s11] =	stream.strided.scatter [tilespmem:s7], [sflag:$0x4], $0x8000, s12, s11, $0x38;
	[tilespmem:$0x18100] =	vst v63  }
0x1a7: {  	_ =	swait.ge [sflag:s14], $0x8000  }
0x1a8: {  	[sflag:s14] =	ssyncset.done $0x0  }
0x1a9: {  	[sflag:s14] =	ssyncadd.s32 $0xFFFF8000  }
0x1aa: {  	_ =	swait.ge [sflag:s14], $0x8000  }
0x1ab: {  	[sflag:s14] =	ssyncset.done $0x0  }
0x1ac: {  	[sflag:s14] =	ssyncadd.s32 $0xFFFF8000  }
0x1ad: {  	_ =	swait.ge [sflag:s14], $0x8000  }
0x1ae: {  	[sflag:s14] =	ssyncset.done $0x0  }
0x1af: {  	[sflag:s14] =	ssyncadd.s32 $0xFFFF8000  }
0x1b0: {  	_ =	swait.ge [sflag:s14], $0x8000  }
0x1b1: {  	[sflag:s14] =	ssyncset.done $0x0  }
0x1b2: {  	[sflag:s14] =	ssyncadd.s32 $0xFFFF8000  }
0x1b3: {  	p0 =	sne.s32 s1, $0x1;
	_ =	swait.ge [sflag:s17], $0x8000  }
.Ltmp1:
0x1b4: {  	[sflag:s17] =	ssyncset.done $0x0;
	(pc) =	sbr.rel @p0 .LBB2_1-.Ltmp1, $4  }
0x1b5: {  	[sflag:s17] =	ssyncadd.s32 $0xFFFF8000  }
0x1b6: {  	[hbm4b:s28+s11] =	stream.strided.scatter [tilespmem:s13], [sflag:$0x5], $0x8000, s12, s11, $0x38;
	[tilespmem:$0x18100] =	vst v63  }
0x1b7: {  	s1 =	sadd.s32 $0xFFFFFFFF, s1  }
0x1b8: {  	[hbm4b:s29+s11] =	stream.strided.scatter [tilespmem:s13], [sflag:$0x5], $0x8000, s12, s11, $0x38;
	[tilespmem:$0x18100] =	vst v63  }
.LBB2_2:
0x1b9: {  	[hbm4b:s30+s11] =	stream.strided.scatter [tilespmem:s13], [sflag:$0x5], $0x8000, s12, s11, $0x38;
	[tilespmem:$0x18100] =	vst v63  }
0x1ba: {  	_ = 	snop  }
0x1bb: {  	[hbm4b:s31+s11] =	stream.strided.scatter [tilespmem:s13], [sflag:$0x5], $0x8000, s12, s11, $0x38;
	[tilespmem:$0x18100] =	vst v63  }
0x1bc: {  	_ =	swait.ge [sflag:s15], $0x8000  }
0x1bd: {  	[sflag:s15] =	ssyncset.done $0x0  }
0x1be: {  	[sflag:s15] =	ssyncadd.s32 $0xFFFF8000  }
0x1bf: {  	_ =	swait.ge [sflag:s15], $0x8000  }
0x1c0: {  	[sflag:s15] =	ssyncset.done $0x0  }
0x1c1: {  	[sflag:s15] =	ssyncadd.s32 $0xFFFF8000  }
0x1c2: {  	_ =	swait.ge [sflag:s15], $0x8000  }
0x1c3: {  	[sflag:s15] =	ssyncset.done $0x0  }
0x1c4: {  	[sflag:s15] =	ssyncadd.s32 $0xFFFF8000  }
0x1c5: {  	_ =	swait.ge [sflag:s15], $0x8000  }
0x1c6: {  	[sflag:s15] =	ssyncset.done $0x0  }
0x1c7: {  	[sflag:s15] =	ssyncadd.s32 $0xFFFF8000  }
0x1c8: {  	_ =	sfence.sel $0x180000  }
0x1c9: {  	[bflag:$0x0] =	sbarrier.arrive $0xFFFF  }
0x1ca: {  	_ =	strace $0x90000047  }
0x1cb: {  	s0 =	stileid.u32;
	[bflag:$0x2] =	sbarrier.arrive $0xFFFF  }
0x1cc: {  	p0 =	sne.s32 s0, $0x0;
	s0 =	rddreg [dreg:$0x3]  }
0x1cd: {  	s0 =	sadd.s32 @!p0 $0x100000, s0  }
0x1ce: {  	[sflag:s0] =	ssyncadd.tile.s32 @!p0 $0x1;
	_ =	shalt  }
.Lfunc_end2:
_tile_overlayer_lowered:
.L_overlay_start_2:
0x1cf: {  	(tag) =	ssettag $0x2  }
0x1d0: {  	s0 =	rddreg [dreg:$0x0];
	s2 =	stileid.u32  }
0x1d1: {  	s1 =	rddreg [dreg:$0x1];
	p0 =	sne.s32 s2, $0x0  }
0x1d2: {  	s3 =	rddreg [dreg:$0x2];
	[bflag:$0x3] =	sbarrier.arrive $0xFFFF;
	s2 =	simm.s32 @!p0 $0x1C07  }
0x1d3: {  	[timem:s3], [sflag:s2] =	dma.local @!p0 [hbm:s0], s1  }
0x1d4: {  	s0 =	simm.s32 @!p0 $0x7  }
0x1d5: {  	_ =	swait.ge @!p0 [sflag:s0], s1  }
0x1d6: {  	s1 =	ssub.s32 @!p0 $0x0, s1;
	[sflag:s0] =	ssyncset.done @!p0 $0x0  }
0x1d7: {  	[sflag:s0] =	ssyncadd.s32 @!p0 s1  }
0x1d8: {  	[bflag:$0x3] =	sbarrier.arrive $0xFFFF  }
0x1d9: {  	_ =	shalt  }

</sc_bundles>
